<compile_context>
chip_gen: v7x
topology: tpu7x:2x2x1
jax: 0.10.2.dev20260603
libtpu: 0.0.44.dev20260713+nightly
codegen_flags: <defaults>
</compile_context>

<pallas_src>
import jax
import jax.numpy as jnp
from jax import lax
from jax.experimental import pallas as pl
from jax.experimental.pallas import tpu as pltpu
from jax.experimental.pallas import tpu_sc as plsc

B, L = 1024, 200
N = B * L
D = 64
QD = D // 2
HD = 192
CD = 384
NS_F = 4
QV = 100001

NC, NS = 2, 16
NW = NC * NS
TPW = N // NW
CH = 128
CHS = 80
SCHUNK = TPW // CHS
SK = SCHUNK // 2
TPT_Q = N // NS
QCHUNK = TPT_Q // CH
QK = QCHUNK // 2
QSS = 4
QCC = CH // QSS

BT = 2048


def _sc_gather_body(tq, ts0, ts1, ts2, ts3, qidx, sidx,
                    out_q, out_s, q_sp, qi0, qi1, si0, si1, q0, q1, s0, s1,
                    qg0, qg1, qw0, qw1, sg0, sg1, sw0, sw1,
                    qisem0, qisem1, sisem0, sisem1):
    cid = lax.axis_index("c")
    sid = lax.axis_index("s")
    wid = sid * NC + cid
    sbase = wid * TPW
    qbase = sid * TPT_Q
    stables = (ts0, ts1, ts2, ts3)

    @pl.when(sid == 0)
    def _():
        pltpu.sync_copy(tq.at[:, pl.ds(cid * QD, QD)], q_sp)
    plsc.subcore_barrier()

    def qgather(slot, islot, sem):
        for j in range(QSS):
            pltpu.async_copy(
                q_sp.at[islot.at[pl.ds(j * QCC, QCC)]],
                slot.at[pl.ds(j * QCC, QCC)], sem)

    def qwait_g(slot, islot, sem):
        for j in range(QSS):
            pltpu.make_async_copy(
                q_sp.at[islot.at[pl.ds(j * QCC, QCC)]],
                slot.at[pl.ds(j * QCC, QCC)], sem).wait()

    def qwrite(slot, c, sem):
        pltpu.async_copy(
            slot, out_q.at[cid, pl.ds(qbase + c * CH, CH)], sem)

    def qwait_w(slot, sem):
        pltpu.make_async_copy(
            slot, out_q.at[cid, pl.ds(qbase, CH)], sem).wait()

    pltpu.async_copy(qidx.at[sid, 0], qi0, qisem0)
    pltpu.async_copy(qidx.at[sid, 1], qi1, qisem1)

    def qbody(k, carry):
        c0 = 2 * k
        @pl.when(k >= 1)
        def _():
            qwait_g(q1, qi1, qg1)
            qwrite(q1, c0 - 1, qw1)
            pltpu.async_copy(qidx.at[sid, c0 + 1], qi1, qisem1)
            qwait_w(q0, qw0)
        pltpu.make_async_copy(qidx.at[sid, c0], qi0, qisem0).wait()
        qgather(q0, qi0, qg0)
        qwait_g(q0, qi0, qg0)
        qwrite(q0, c0, qw0)
        @pl.when(k + 1 < QK)
        def _():
            pltpu.async_copy(qidx.at[sid, c0 + 2], qi0, qisem0)
        @pl.when(k >= 1)
        def _():
            qwait_w(q1, qw1)
        pltpu.make_async_copy(qidx.at[sid, c0 + 1], qi1, qisem1).wait()
        qgather(q1, qi1, qg1)
        return carry

    lax.fori_loop(0, QK, qbody, 0)
    qwait_g(q1, qi1, qg1)
    qwrite(q1, QCHUNK - 1, qw1)
    qwait_w(q0, qw0)
    qwait_w(q1, qw1)

    def sload_idx(islot, c, sem):
        pltpu.async_copy(sidx.at[wid, c], islot, sem)

    def swait_idx(islot, c, sem):
        pltpu.make_async_copy(sidx.at[wid, c], islot, sem).wait()

    def sgather(slot, islot, sem):
        for f in range(NS_F):
            pltpu.async_copy(
                stables[f].at[islot.at[f]], slot.at[f], sem)

    def swait_g(slot, islot, sem):
        for f in range(NS_F):
            pltpu.make_async_copy(
                stables[f].at[islot.at[f]], slot.at[f], sem).wait()

    def swrite(slot, c, sem):
        pltpu.async_copy(
            slot, out_s.at[:, pl.ds(sbase + c * CHS, CHS), :], sem)

    def swait_w(slot, sem):
        pltpu.make_async_copy(
            slot, out_s.at[:, pl.ds(sbase, CHS), :], sem).wait()

    sload_idx(si0, 0, sisem0)
    sload_idx(si1, 1, sisem1)

    def sbody(k, carry):
        c0 = 2 * k
        @pl.when(k >= 1)
        def _():
            swait_g(s1, si1, sg1)
            swrite(s1, c0 - 1, sw1)
            sload_idx(si1, c0 + 1, sisem1)
            swait_w(s0, sw0)
        swait_idx(si0, c0, sisem0)
        sgather(s0, si0, sg0)
        swait_g(s0, si0, sg0)
        swrite(s0, c0, sw0)
        @pl.when(k + 1 < SK)
        def _():
            sload_idx(si0, c0 + 2, sisem0)
        @pl.when(k >= 1)
        def _():
            swait_w(s1, sw1)
        swait_idx(si1, c0 + 1, sisem1)
        sgather(s1, si1, sg1)
        return carry

    lax.fori_loop(0, SK, sbody, 0)
    swait_g(s1, si1, sg1)
    swrite(s1, SCHUNK - 1, sw1)
    swait_w(s0, sw0)
    swait_w(s1, sw1)


_sc_gather = pl.kernel(
    _sc_gather_body,
    out_type=(jax.ShapeDtypeStruct((2, N, QD), jnp.bfloat16),
              jax.ShapeDtypeStruct((NS_F, N, D), jnp.bfloat16)),
    mesh=plsc.VectorSubcoreMesh(
        core_axis_name="c", subcore_axis_name="s",
        num_cores=NC, num_subcores=NS),
    scratch_types=(
        [pltpu.VMEM_SHARED((QV, QD), jnp.bfloat16)]
        + [pltpu.VMEM((CH,), jnp.int32) for _ in range(2)]
        + [pltpu.VMEM((NS_F, CHS), jnp.int32) for _ in range(2)]
        + [pltpu.VMEM((CH, QD), jnp.bfloat16) for _ in range(2)]
        + [pltpu.VMEM((NS_F, CHS, D), jnp.bfloat16) for _ in range(2)]
        + [pltpu.SemaphoreType.DMA] * 12
    ),
    compiler_params=pltpu.CompilerParams(use_tc_tiling_on_sc=False),
)


def _tc_proj_body(ii, wint, q, s, wc, bc, out):
    onehot = (ii[...] == jax.lax.broadcasted_iota(
        jnp.int32, (BT, 3), 1)).astype(jnp.bfloat16)
    e_int = jnp.dot(onehot, wint[...],
                    preferred_element_type=jnp.float32).astype(jnp.bfloat16)
    ec = jnp.concatenate(
        [e_int, q[0], q[1], s[0], s[1], s[2], s[3]], axis=1)
    out[...] = jnp.dot(ec, wc[...],
                       preferred_element_type=jnp.float32) + bc[...]


@jax.jit
def _run(tq, stables, qidx, sidx, inter, W_int, W_comb, b_comb):
    eq, es = _sc_gather(tq, *stables, qidx, sidx)
    x = pl.pallas_call(
        _tc_proj_body,
        grid=(N // BT,),
        in_specs=[
            pl.BlockSpec((BT, 1), lambda i: (i, 0)),
            pl.BlockSpec((3, D), lambda i: (0, 0)),
            pl.BlockSpec((2, BT, QD), lambda i: (0, i, 0)),
            pl.BlockSpec((NS_F, BT, D), lambda i: (0, i, 0)),
            pl.BlockSpec((CD, HD), lambda i: (0, 0)),
            pl.BlockSpec((1, HD), lambda i: (0, 0)),
        ],
        out_specs=pl.BlockSpec((BT, HD), lambda i: (i, 0)),
        out_shape=jax.ShapeDtypeStruct((N, HD), jnp.float32),
    )(inter.reshape(N, 1), W_int.astype(jnp.bfloat16), eq, es,
      W_comb.astype(jnp.bfloat16), b_comb.reshape(1, HD))
    return x.reshape(B, L, HD)


def kernel(correct, question, test, tag, elapsed_question, elapsed_test,
           mask, interaction, index,
           W_interaction, W_question, W_test, W_tag, W_elapsed_question,
           W_elapsed_test, W_comb, b_comb):
    bf = jnp.bfloat16
    tq = W_question.astype(bf)
    stables = tuple(w.astype(bf) for w in
                    (W_test, W_tag, W_elapsed_question, W_test))
    qidx = question.reshape(NS, QCHUNK, CH)
    sidx = jnp.stack((test, tag, elapsed_question, elapsed_test))
    sidx = sidx.reshape(NS_F, NW, SCHUNK, CHS).transpose(1, 2, 0, 3)
    return _run(tq, stables, qidx, sidx, interaction, W_interaction,
                W_comb, b_comb)

# --- scband reference (transcript-rebuilt; emitter-appended) ---
"""Pipeline reference for scband-base-sequential-model-53111565582520 (READ-ONLY COPY).

The authoritative reference and input builder live on the scoring server;
editing this copy changes nothing except your own understanding.
"""

import jax, jax.numpy as jnp
import numpy as np

B, L = 1024, 200
INTD, HD = 64, 192
NQ, NT, NTAG, NEQ, NET = 100000, 1000, 1000, 1000, 1000


def setup_inputs(seed: int = 0) -> dict:
    key = jax.random.key(seed)
    ks = jax.random.split(key, 20)
    inp = {}
    inp['correct'] = jax.random.randint(ks[0], (B, L), 0, 2, dtype=jnp.int32)
    inp['question'] = jax.random.randint(ks[1], (B, L), 0, NQ, dtype=jnp.int32)
    inp['test'] = jax.random.randint(ks[2], (B, L), 0, NT, dtype=jnp.int32)
    inp['tag'] = jax.random.randint(ks[3], (B, L), 0, NTAG, dtype=jnp.int32)
    inp['elapsed_question'] = jax.random.randint(ks[4], (B, L), 0, NEQ, dtype=jnp.int32)
    inp['elapsed_test'] = jax.random.randint(ks[5], (B, L), 0, NET, dtype=jnp.int32)
    inp['mask'] = jnp.ones((B, L), dtype=jnp.float32)
    inp['interaction'] = jax.random.randint(ks[6], (B, L), 0, 3, dtype=jnp.int32)
    inp['index'] = jax.random.randint(ks[7], (B,), 0, B, dtype=jnp.int32)
    # learned parameters (embedding tables sized per original module: vocab+1 rows)
    inp['W_interaction'] = jax.random.normal(ks[8], (3, INTD), dtype=jnp.float32) * 0.02
    inp['W_question'] = jax.random.normal(ks[9], (NQ + 1, INTD), dtype=jnp.float32) * 0.02
    inp['W_test'] = jax.random.normal(ks[10], (NT + 1, INTD), dtype=jnp.float32) * 0.02
    inp['W_tag'] = jax.random.normal(ks[11], (NTAG + 1, INTD), dtype=jnp.float32) * 0.02
    inp['W_elapsed_question'] = jax.random.normal(ks[12], (NEQ + 1, INTD), dtype=jnp.float32) * 0.02
    inp['W_elapsed_test'] = jax.random.normal(ks[13], (NET + 1, INTD), dtype=jnp.float32) * 0.02
    inp['W_comb'] = jax.random.normal(ks[14], (INTD * 6, HD), dtype=jnp.float32) * 0.02
    inp['b_comb'] = jnp.zeros((HD,), dtype=jnp.float32)
    return inp


def reference(correct, question, test, tag, elapsed_question, elapsed_test, mask, interaction, index,
              W_interaction, W_question, W_test, W_tag, W_elapsed_question, W_elapsed_test, W_comb, b_comb):
    # dropout p=0.0 -> identity (module constructed with drop_out=0.0)
    embed_interaction = jnp.take(W_interaction, interaction, axis=0)
    embed_question = jnp.take(W_question, question, axis=0)
    embed_test = jnp.take(W_test, test, axis=0)
    embed_tag = jnp.take(W_tag, tag, axis=0)
    embed_elapsed_question = jnp.take(W_elapsed_question, elapsed_question, axis=0)
    # faithful to original: elapsed_test is looked up in embedding_test (bug in source preserved)
    embed_elapsed_test = jnp.take(W_test, elapsed_test, axis=0)
    embed = jnp.concatenate([embed_interaction, embed_question, embed_test, embed_tag,
                             embed_elapsed_question, embed_elapsed_test], axis=2)
    X = embed @ W_comb + b_comb
    return X

if __name__ == "__main__":
    import jax
    _d = setup_inputs()
    print(jax.jit(kernel)(*tuple(_d.values())))

</pallas_src>

<mosaic_0001>
#map = affine_map<(d0, d1) -> (0, 0)>
#map1 = affine_map<(d0, d1) -> (0, 0, 0)>
#map2 = affine_map<(d0, d1) -> (0, 0, 0, 0)>
module attributes {stable_mosaic.version = 14 : i64} {
  func.func @_sc_gather_body(%arg0: i32, %arg1: i32, %arg2: memref<100001x64xbf16, #tpu.memory_space<hbm>>, %arg3: memref<1001x64xbf16, #tpu.memory_space<hbm>>, %arg4: memref<1001x64xbf16, #tpu.memory_space<hbm>>, %arg5: memref<1001x64xbf16, #tpu.memory_space<hbm>>, %arg6: memref<1001x64xbf16, #tpu.memory_space<hbm>>, %arg7: memref<16x100x128xi32, #tpu.memory_space<hbm>>, %arg8: memref<32x80x4x80xi32, #tpu.memory_space<hbm>>, %arg9: memref<2x204800x32xbf16, #tpu.memory_space<hbm>>, %arg10: memref<4x204800x64xbf16, #tpu.memory_space<hbm>>, %arg11: memref<100001x32xbf16, #tpu.memory_space<vmem_shared>>, %arg12: memref<128xi32, #tpu.memory_space<vmem>>, %arg13: memref<128xi32, #tpu.memory_space<vmem>>, %arg14: memref<4x80xi32, #tpu.memory_space<vmem>>, %arg15: memref<4x80xi32, #tpu.memory_space<vmem>>, %arg16: memref<128x32xbf16, #tpu.memory_space<vmem>>, %arg17: memref<128x32xbf16, #tpu.memory_space<vmem>>, %arg18: memref<4x80x64xbf16, #tpu.memory_space<vmem>>, %arg19: memref<4x80x64xbf16, #tpu.memory_space<vmem>>, %arg20: memref<!tpu.dma_semaphore, #tpu.memory_space<semaphore_mem>>, %arg21: memref<!tpu.dma_semaphore, #tpu.memory_space<semaphore_mem>>, %arg22: memref<!tpu.dma_semaphore, #tpu.memory_space<semaphore_mem>>, %arg23: memref<!tpu.dma_semaphore, #tpu.memory_space<semaphore_mem>>, %arg24: memref<!tpu.dma_semaphore, #tpu.memory_space<semaphore_mem>>, %arg25: memref<!tpu.dma_semaphore, #tpu.memory_space<semaphore_mem>>, %arg26: memref<!tpu.dma_semaphore, #tpu.memory_space<semaphore_mem>>, %arg27: memref<!tpu.dma_semaphore, #tpu.memory_space<semaphore_mem>>, %arg28: memref<!tpu.dma_semaphore, #tpu.memory_space<semaphore_mem>>, %arg29: memref<!tpu.dma_semaphore, #tpu.memory_space<semaphore_mem>>, %arg30: memref<!tpu.dma_semaphore, #tpu.memory_space<semaphore_mem>>, %arg31: memref<!tpu.dma_semaphore, #tpu.memory_space<semaphore_mem>>) attributes {dimension_semantics = [#tpu.dimension_semantics<core_parallel>, #tpu.dimension_semantics<subcore_parallel>], iteration_bounds = array<i64: 2, 16>, scalar_prefetch = 0 : i64, scratch_operands = 21 : i64, tpu.core_type = #tpu.core_type<sc_vector_subcore>, window_params = [{transform_indices = #map}, {transform_indices = #map}, {transform_indices = #map}, {transform_indices = #map}, {transform_indices = #map}, {transform_indices = #map1}, {transform_indices = #map2}, {transform_indices = #map1}, {transform_indices = #map1}]} {
    %mul3A = arith.constant 2 : i32
    %mul3A_0 = arith.muli %arg1, %mul3A : i32
    %add3A = arith.addi %mul3A_0, %arg0 : i32
    %mul3A_1 = arith.constant 6400 : i32
    %mul3A_2 = arith.muli %add3A, %mul3A_1 : i32
    %mul3A_3 = arith.constant 12800 : i32
    %mul3A_4 = arith.muli %arg1, %mul3A_3 : i32
    %eq3A = arith.constant 0 : i32
    %eq3A_5 = arith.cmpi eq, %arg1, %eq3A : i32
    %convert_element_type3A = arith.extui %eq3A_5 : i1 to i32
    %cond3A = arith.constant 0 : i32
    %cond3A_6 = arith.cmpi ne, %convert_element_type3A, %cond3A : i32
    scf.if %cond3A_6 {
      %mul3A_168 = arith.constant 32 : i32
      %mul3A_169 = arith.muli %arg0, %mul3A_168 : i32
      "tpu.region"() ({
        %run_scoped3A = tpu.sem_alloc : memref<!tpu.dma_semaphore, #tpu.memory_space<semaphore_mem>>
        %dma_start3A_170 = arith.constant 0 : i32
        %dma_start3A_171 = tpu.memref_slice %arg2[%dma_start3A_170, %mul3A_169] : memref<100001x64xbf16, #tpu.memory_space<hbm>> -> memref<100001x32xbf16, #tpu.memory_space<hbm>>
        tpu.enqueue_dma source(%dma_start3A_171 : memref<100001x32xbf16, #tpu.memory_space<hbm>>) target(%arg11 : memref<100001x32xbf16, #tpu.memory_space<vmem_shared>>) target_semaphore(%run_scoped3A : memref<!tpu.dma_semaphore, #tpu.memory_space<semaphore_mem>>)
        %dma_wait3A_172 = arith.constant 0 : i32
        %dma_wait3A_173 = tpu.memref_slice %arg2[%dma_wait3A_172, %mul3A_169] : memref<100001x64xbf16, #tpu.memory_space<hbm>> -> memref<100001x32xbf16, #tpu.memory_space<hbm>>
        tpu.wait_dma2 semaphore(%run_scoped3A : memref<!tpu.dma_semaphore, #tpu.memory_space<semaphore_mem>>) src(%dma_wait3A_173 : memref<100001x32xbf16, #tpu.memory_space<hbm>>) dst(%arg11 : memref<100001x32xbf16, #tpu.memory_space<vmem_shared>>)
        tpu.yield
      }) : () -> ()
    } else {
    }
    %barrier3A = arith.constant 0 : index
    tpu.barrier barrier_id(%barrier3A)
    %dma_start3A = arith.constant 0 : i32
    %dma_start3A_7 = arith.constant 0 : i32
    %dma_start3A_8 = tpu.memref_slice %arg7[%arg1, %dma_start3A, %dma_start3A_7] : memref<16x100x128xi32, #tpu.memory_space<hbm>> -> memref<1x1x128xi32, #tpu.memory_space<hbm>>
    %dma_start3A_9 = tpu.memref_squeeze %dma_start3A_8 : memref<1x1x128xi32, #tpu.memory_space<hbm>> -> memref<128xi32, #tpu.memory_space<hbm>>
    %dma_start3A_10 = arith.constant 0 : i32
    %dma_start3A_11 = tpu.memref_slice %arg7[%arg1, %dma_start3A, %dma_start3A_10] : memref<16x100x128xi32, #tpu.memory_space<hbm>> -> memref<1x1x128xi32, #tpu.memory_space<hbm>>
    %dma_start3A_12 = tpu.memref_squeeze %dma_start3A_11 : memref<1x1x128xi32, #tpu.memory_space<hbm>> -> memref<128xi32, #tpu.memory_space<hbm>>
    tpu.enqueue_dma source(%dma_start3A_12 : memref<128xi32, #tpu.memory_space<hbm>>) target(%arg12 : memref<128xi32, #tpu.memory_space<vmem>>) target_semaphore(%arg28 : memref<!tpu.dma_semaphore, #tpu.memory_space<semaphore_mem>>)
    %dma_start3A_13 = arith.constant 1 : i32
    %dma_start3A_14 = arith.constant 0 : i32
    %dma_start3A_15 = tpu.memref_slice %arg7[%arg1, %dma_start3A_13, %dma_start3A_14] : memref<16x100x128xi32, #tpu.memory_space<hbm>> -> memref<1x1x128xi32, #tpu.memory_space<hbm>>
    %dma_start3A_16 = tpu.memref_squeeze %dma_start3A_15 : memref<1x1x128xi32, #tpu.memory_space<hbm>> -> memref<128xi32, #tpu.memory_space<hbm>>
    %dma_start3A_17 = arith.constant 0 : i32
    %dma_start3A_18 = tpu.memref_slice %arg7[%arg1, %dma_start3A_13, %dma_start3A_17] : memref<16x100x128xi32, #tpu.memory_space<hbm>> -> memref<1x1x128xi32, #tpu.memory_space<hbm>>
    %dma_start3A_19 = tpu.memref_squeeze %dma_start3A_18 : memref<1x1x128xi32, #tpu.memory_space<hbm>> -> memref<128xi32, #tpu.memory_space<hbm>>
    tpu.enqueue_dma source(%dma_start3A_19 : memref<128xi32, #tpu.memory_space<hbm>>) target(%arg13 : memref<128xi32, #tpu.memory_space<vmem>>) target_semaphore(%arg29 : memref<!tpu.dma_semaphore, #tpu.memory_space<semaphore_mem>>)
    %scan3A = arith.constant 0 : i32
    %scan3A_20 = arith.constant 0 : i32
    %scan3A_21 = arith.constant 50 : i32
    %scan3A_22 = arith.addi %scan3A_20, %scan3A_21 : i32
    %scan3A_23 = arith.constant 1 : i32
    scf.for %scan3A_168 = %scan3A_20 to %scan3A_22 step %scan3A_23  : i32 {
      %mul3A_169 = arith.constant 2 : i32
      %mul3A_170 = arith.muli %mul3A_169, %scan3A_168 : i32
      %ge3A = arith.constant 1 : i32
      %ge3A_171 = arith.cmpi sge, %scan3A_168, %ge3A : i32
      %convert_element_type3A_172 = arith.extui %ge3A_171 : i1 to i32
      %cond3A_173 = arith.constant 0 : i32
      %cond3A_174 = arith.cmpi ne, %convert_element_type3A_172, %cond3A_173 : i32
      scf.if %cond3A_174 {
        %dma_wait3A_305 = arith.constant 0 : i32
        %dma_wait3A_306 = arith.constant 0 : i32
        %dma_wait3A_307 = tpu.memref_slice %arg17[%dma_wait3A_305, %dma_wait3A_306] : memref<128x32xbf16, #tpu.memory_space<vmem>> -> memref<32x32xbf16, #tpu.memory_space<vmem>>
        %dma_wait3A_308 = arith.constant 0 : i32
        %dma_wait3A_309 = tpu.memref_slice %arg13[%dma_wait3A_308] : memref<128xi32, #tpu.memory_space<vmem>> -> memref<32xi32, #tpu.memory_space<vmem>>
        %dma_wait3A_310 = arith.constant 0 : i32
        %dma_wait3A_311 = arith.constant 0 : i32
        %dma_wait3A_312 = tpu.memref_slice %arg11[%dma_wait3A_310, %dma_wait3A_311] : memref<100001x32xbf16, #tpu.memory_space<vmem_shared>> -> memref<100001x32xbf16, #tpu.memory_space<vmem_shared>>
        tpu.wait_indirect_dma semaphore(%arg21 : memref<!tpu.dma_semaphore, #tpu.memory_space<semaphore_mem>>) src(%dma_wait3A_312 : memref<100001x32xbf16, #tpu.memory_space<vmem_shared>>) dst(%dma_wait3A_307 : memref<32x32xbf16, #tpu.memory_space<vmem>>)
        %dma_wait3A_313 = arith.constant 32 : i32
        %dma_wait3A_314 = arith.constant 0 : i32
        %dma_wait3A_315 = tpu.memref_slice %arg17[%dma_wait3A_313, %dma_wait3A_314] : memref<128x32xbf16, #tpu.memory_space<vmem>> -> memref<32x32xbf16, #tpu.memory_space<vmem>>
        %dma_wait3A_316 = arith.constant 32 : i32
        %dma_wait3A_317 = tpu.memref_slice %arg13[%dma_wait3A_316] : memref<128xi32, #tpu.memory_space<vmem>> -> memref<32xi32, #tpu.memory_space<vmem>>
        %dma_wait3A_318 = arith.constant 0 : i32
        %dma_wait3A_319 = arith.constant 0 : i32
        %dma_wait3A_320 = tpu.memref_slice %arg11[%dma_wait3A_318, %dma_wait3A_319] : memref<100001x32xbf16, #tpu.memory_space<vmem_shared>> -> memref<100001x32xbf16, #tpu.memory_space<vmem_shared>>
        tpu.wait_indirect_dma semaphore(%arg21 : memref<!tpu.dma_semaphore, #tpu.memory_space<semaphore_mem>>) src(%dma_wait3A_320 : memref<100001x32xbf16, #tpu.memory_space<vmem_shared>>) dst(%dma_wait3A_315 : memref<32x32xbf16, #tpu.memory_space<vmem>>)
        %dma_wait3A_321 = arith.constant 64 : i32
        %dma_wait3A_322 = arith.constant 0 : i32
        %dma_wait3A_323 = tpu.memref_slice %arg17[%dma_wait3A_321, %dma_wait3A_322] : memref<128x32xbf16, #tpu.memory_space<vmem>> -> memref<32x32xbf16, #tpu.memory_space<vmem>>
        %dma_wait3A_324 = arith.constant 64 : i32
        %dma_wait3A_325 = tpu.memref_slice %arg13[%dma_wait3A_324] : memref<128xi32, #tpu.memory_space<vmem>> -> memref<32xi32, #tpu.memory_space<vmem>>
        %dma_wait3A_326 = arith.constant 0 : i32
        %dma_wait3A_327 = arith.constant 0 : i32
        %dma_wait3A_328 = tpu.memref_slice %arg11[%dma_wait3A_326, %dma_wait3A_327] : memref<100001x32xbf16, #tpu.memory_space<vmem_shared>> -> memref<100001x32xbf16, #tpu.memory_space<vmem_shared>>
        tpu.wait_indirect_dma semaphore(%arg21 : memref<!tpu.dma_semaphore, #tpu.memory_space<semaphore_mem>>) src(%dma_wait3A_328 : memref<100001x32xbf16, #tpu.memory_space<vmem_shared>>) dst(%dma_wait3A_323 : memref<32x32xbf16, #tpu.memory_space<vmem>>)
        %dma_wait3A_329 = arith.constant 96 : i32
        %dma_wait3A_330 = arith.constant 0 : i32
        %dma_wait3A_331 = tpu.memref_slice %arg17[%dma_wait3A_329, %dma_wait3A_330] : memref<128x32xbf16, #tpu.memory_space<vmem>> -> memref<32x32xbf16, #tpu.memory_space<vmem>>
        %dma_wait3A_332 = arith.constant 96 : i32
        %dma_wait3A_333 = tpu.memref_slice %arg13[%dma_wait3A_332] : memref<128xi32, #tpu.memory_space<vmem>> -> memref<32xi32, #tpu.memory_space<vmem>>
        %dma_wait3A_334 = arith.constant 0 : i32
        %dma_wait3A_335 = arith.constant 0 : i32
        %dma_wait3A_336 = tpu.memref_slice %arg11[%dma_wait3A_334, %dma_wait3A_335] : memref<100001x32xbf16, #tpu.memory_space<vmem_shared>> -> memref<100001x32xbf16, #tpu.memory_space<vmem_shared>>
        tpu.wait_indirect_dma semaphore(%arg21 : memref<!tpu.dma_semaphore, #tpu.memory_space<semaphore_mem>>) src(%dma_wait3A_336 : memref<100001x32xbf16, #tpu.memory_space<vmem_shared>>) dst(%dma_wait3A_331 : memref<32x32xbf16, #tpu.memory_space<vmem>>)
        %sub3A = arith.constant 1 : i32
        %sub3A_337 = arith.subi %mul3A_170, %sub3A : i32
        %mul3A_338 = arith.constant 128 : i32
        %mul3A_339 = arith.muli %sub3A_337, %mul3A_338 : i32
        %add3A_340 = arith.addi %mul3A_4, %mul3A_339 : i32
        %dma_start3A_341 = arith.constant 0 : i32
        %dma_start3A_342 = tpu.memref_slice %arg9[%arg0, %add3A_340, %dma_start3A_341] : memref<2x204800x32xbf16, #tpu.memory_space<hbm>> -> memref<1x128x32xbf16, #tpu.memory_space<hbm>>
        %dma_start3A_343 = tpu.memref_squeeze %dma_start3A_342 : memref<1x128x32xbf16, #tpu.memory_space<hbm>> -> memref<128x32xbf16, #tpu.memory_space<hbm>>
        %dma_start3A_344 = arith.constant 0 : i32
        %dma_start3A_345 = tpu.memref_slice %arg9[%arg0, %add3A_340, %dma_start3A_344] : memref<2x204800x32xbf16, #tpu.memory_space<hbm>> -> memref<1x128x32xbf16, #tpu.memory_space<hbm>>
        %dma_start3A_346 = tpu.memref_squeeze %dma_start3A_345 : memref<1x128x32xbf16, #tpu.memory_space<hbm>> -> memref<128x32xbf16, #tpu.memory_space<hbm>>
        tpu.enqueue_dma source(%arg17 : memref<128x32xbf16, #tpu.memory_space<vmem>>) target(%dma_start3A_346 : memref<128x32xbf16, #tpu.memory_space<hbm>>) target_semaphore(%arg23 : memref<!tpu.dma_semaphore, #tpu.memory_space<semaphore_mem>>)
        %add3A_347 = arith.constant 1 : i32
        %add3A_348 = arith.addi %mul3A_170, %add3A_347 : i32
        %dma_start3A_349 = arith.constant 0 : i32
        %dma_start3A_350 = tpu.memref_slice %arg7[%arg1, %add3A_348, %dma_start3A_349] : memref<16x100x128xi32, #tpu.memory_space<hbm>> -> memref<1x1x128xi32, #tpu.memory_space<hbm>>
        %dma_start3A_351 = tpu.memref_squeeze %dma_start3A_350 : memref<1x1x128xi32, #tpu.memory_space<hbm>> -> memref<128xi32, #tpu.memory_space<hbm>>
        %dma_start3A_352 = arith.constant 0 : i32
        %dma_start3A_353 = tpu.memref_slice %arg7[%arg1, %add3A_348, %dma_start3A_352] : memref<16x100x128xi32, #tpu.memory_space<hbm>> -> memref<1x1x128xi32, #tpu.memory_space<hbm>>
        %dma_start3A_354 = tpu.memref_squeeze %dma_start3A_353 : memref<1x1x128xi32, #tpu.memory_space<hbm>> -> memref<128xi32, #tpu.memory_space<hbm>>
        tpu.enqueue_dma source(%dma_start3A_354 : memref<128xi32, #tpu.memory_space<hbm>>) target(%arg13 : memref<128xi32, #tpu.memory_space<vmem>>) target_semaphore(%arg29 : memref<!tpu.dma_semaphore, #tpu.memory_space<semaphore_mem>>)
        %dma_wait3A_355 = arith.constant 0 : i32
        %dma_wait3A_356 = tpu.memref_slice %arg9[%arg0, %mul3A_4, %dma_wait3A_355] : memref<2x204800x32xbf16, #tpu.memory_space<hbm>> -> memref<1x128x32xbf16, #tpu.memory_space<hbm>>
        %dma_wait3A_357 = tpu.memref_squeeze %dma_wait3A_356 : memref<1x128x32xbf16, #tpu.memory_space<hbm>> -> memref<128x32xbf16, #tpu.memory_space<hbm>>
        %dma_wait3A_358 = arith.constant 0 : i32
        %dma_wait3A_359 = tpu.memref_slice %arg9[%arg0, %mul3A_4, %dma_wait3A_358] : memref<2x204800x32xbf16, #tpu.memory_space<hbm>> -> memref<1x128x32xbf16, #tpu.memory_space<hbm>>
        %dma_wait3A_360 = tpu.memref_squeeze %dma_wait3A_359 : memref<1x128x32xbf16, #tpu.memory_space<hbm>> -> memref<128x32xbf16, #tpu.memory_space<hbm>>
        tpu.wait_dma2 semaphore(%arg22 : memref<!tpu.dma_semaphore, #tpu.memory_space<semaphore_mem>>) src(%arg16 : memref<128x32xbf16, #tpu.memory_space<vmem>>) dst(%dma_wait3A_360 : memref<128x32xbf16, #tpu.memory_space<hbm>>)
      } else {
      }
      %dma_wait3A_175 = arith.constant 0 : i32
      %dma_wait3A_176 = tpu.memref_slice %arg7[%arg1, %mul3A_170, %dma_wait3A_175] : memref<16x100x128xi32, #tpu.memory_space<hbm>> -> memref<1x1x128xi32, #tpu.memory_space<hbm>>
      %dma_wait3A_177 = tpu.memref_squeeze %dma_wait3A_176 : memref<1x1x128xi32, #tpu.memory_space<hbm>> -> memref<128xi32, #tpu.memory_space<hbm>>
      %dma_wait3A_178 = arith.constant 0 : i32
      %dma_wait3A_179 = tpu.memref_slice %arg7[%arg1, %mul3A_170, %dma_wait3A_178] : memref<16x100x128xi32, #tpu.memory_space<hbm>> -> memref<1x1x128xi32, #tpu.memory_space<hbm>>
      %dma_wait3A_180 = tpu.memref_squeeze %dma_wait3A_179 : memref<1x1x128xi32, #tpu.memory_space<hbm>> -> memref<128xi32, #tpu.memory_space<hbm>>
      tpu.wait_dma2 semaphore(%arg28 : memref<!tpu.dma_semaphore, #tpu.memory_space<semaphore_mem>>) src(%dma_wait3A_180 : memref<128xi32, #tpu.memory_space<hbm>>) dst(%arg12 : memref<128xi32, #tpu.memory_space<vmem>>)
      %dma_start3A_181 = arith.constant 0 : i32
      %dma_start3A_182 = arith.constant 0 : i32
      %dma_start3A_183 = tpu.memref_slice %arg16[%dma_start3A_181, %dma_start3A_182] : memref<128x32xbf16, #tpu.memory_space<vmem>> -> memref<32x32xbf16, #tpu.memory_space<vmem>>
      %dma_start3A_184 = arith.constant 0 : i32
      %dma_start3A_185 = tpu.memref_slice %arg12[%dma_start3A_184] : memref<128xi32, #tpu.memory_space<vmem>> -> memref<32xi32, #tpu.memory_space<vmem>>
      %dma_start3A_186 = arith.constant 0 : i32
      %dma_start3A_187 = arith.constant 0 : i32
      %dma_start3A_188 = tpu.memref_slice %arg11[%dma_start3A_186, %dma_start3A_187] : memref<100001x32xbf16, #tpu.memory_space<vmem_shared>> -> memref<100001x32xbf16, #tpu.memory_space<vmem_shared>>
      tpu.enqueue_indirect_dma source(%dma_start3A_188 : memref<100001x32xbf16, #tpu.memory_space<vmem_shared>>) target(%dma_start3A_183 : memref<32x32xbf16, #tpu.memory_space<vmem>>) offsets(%dma_start3A_185 : memref<32xi32, #tpu.memory_space<vmem>>) semaphore(%arg20 : memref<!tpu.dma_semaphore, #tpu.memory_space<semaphore_mem>>)
      %dma_start3A_189 = arith.constant 32 : i32
      %dma_start3A_190 = arith.constant 0 : i32
      %dma_start3A_191 = tpu.memref_slice %arg16[%dma_start3A_189, %dma_start3A_190] : memref<128x32xbf16, #tpu.memory_space<vmem>> -> memref<32x32xbf16, #tpu.memory_space<vmem>>
      %dma_start3A_192 = arith.constant 32 : i32
      %dma_start3A_193 = tpu.memref_slice %arg12[%dma_start3A_192] : memref<128xi32, #tpu.memory_space<vmem>> -> memref<32xi32, #tpu.memory_space<vmem>>
      %dma_start3A_194 = arith.constant 0 : i32
      %dma_start3A_195 = arith.constant 0 : i32
      %dma_start3A_196 = tpu.memref_slice %arg11[%dma_start3A_194, %dma_start3A_195] : memref<100001x32xbf16, #tpu.memory_space<vmem_shared>> -> memref<100001x32xbf16, #tpu.memory_space<vmem_shared>>
      tpu.enqueue_indirect_dma source(%dma_start3A_196 : memref<100001x32xbf16, #tpu.memory_space<vmem_shared>>) target(%dma_start3A_191 : memref<32x32xbf16, #tpu.memory_space<vmem>>) offsets(%dma_start3A_193 : memref<32xi32, #tpu.memory_space<vmem>>) semaphore(%arg20 : memref<!tpu.dma_semaphore, #tpu.memory_space<semaphore_mem>>)
      %dma_start3A_197 = arith.constant 64 : i32
      %dma_start3A_198 = arith.constant 0 : i32
      %dma_start3A_199 = tpu.memref_slice %arg16[%dma_start3A_197, %dma_start3A_198] : memref<128x32xbf16, #tpu.memory_space<vmem>> -> memref<32x32xbf16, #tpu.memory_space<vmem>>
      %dma_start3A_200 = arith.constant 64 : i32
      %dma_start3A_201 = tpu.memref_slice %arg12[%dma_start3A_200] : memref<128xi32, #tpu.memory_space<vmem>> -> memref<32xi32, #tpu.memory_space<vmem>>
      %dma_start3A_202 = arith.constant 0 : i32
      %dma_start3A_203 = arith.constant 0 : i32
      %dma_start3A_204 = tpu.memref_slice %arg11[%dma_start3A_202, %dma_start3A_203] : memref<100001x32xbf16, #tpu.memory_space<vmem_shared>> -> memref<100001x32xbf16, #tpu.memory_space<vmem_shared>>
      tpu.enqueue_indirect_dma source(%dma_start3A_204 : memref<100001x32xbf16, #tpu.memory_space<vmem_shared>>) target(%dma_start3A_199 : memref<32x32xbf16, #tpu.memory_space<vmem>>) offsets(%dma_start3A_201 : memref<32xi32, #tpu.memory_space<vmem>>) semaphore(%arg20 : memref<!tpu.dma_semaphore, #tpu.memory_space<semaphore_mem>>)
      %dma_start3A_205 = arith.constant 96 : i32
      %dma_start3A_206 = arith.constant 0 : i32
      %dma_start3A_207 = tpu.memref_slice %arg16[%dma_start3A_205, %dma_start3A_206] : memref<128x32xbf16, #tpu.memory_space<vmem>> -> memref<32x32xbf16, #tpu.memory_space<vmem>>
      %dma_start3A_208 = arith.constant 96 : i32
      %dma_start3A_209 = tpu.memref_slice %arg12[%dma_start3A_208] : memref<128xi32, #tpu.memory_space<vmem>> -> memref<32xi32, #tpu.memory_space<vmem>>
      %dma_start3A_210 = arith.constant 0 : i32
      %dma_start3A_211 = arith.constant 0 : i32
      %dma_start3A_212 = tpu.memref_slice %arg11[%dma_start3A_210, %dma_start3A_211] : memref<100001x32xbf16, #tpu.memory_space<vmem_shared>> -> memref<100001x32xbf16, #tpu.memory_space<vmem_shared>>
      tpu.enqueue_indirect_dma source(%dma_start3A_212 : memref<100001x32xbf16, #tpu.memory_space<vmem_shared>>) target(%dma_start3A_207 : memref<32x32xbf16, #tpu.memory_space<vmem>>) offsets(%dma_start3A_209 : memref<32xi32, #tpu.memory_space<vmem>>) semaphore(%arg20 : memref<!tpu.dma_semaphore, #tpu.memory_space<semaphore_mem>>)
      %dma_wait3A_213 = arith.constant 0 : i32
      %dma_wait3A_214 = arith.constant 0 : i32
      %dma_wait3A_215 = tpu.memref_slice %arg16[%dma_wait3A_213, %dma_wait3A_214] : memref<128x32xbf16, #tpu.memory_space<vmem>> -> memref<32x32xbf16, #tpu.memory_space<vmem>>
      %dma_wait3A_216 = arith.constant 0 : i32
      %dma_wait3A_217 = tpu.memref_slice %arg12[%dma_wait3A_216] : memref<128xi32, #tpu.memory_space<vmem>> -> memref<32xi32, #tpu.memory_space<vmem>>
      %dma_wait3A_218 = arith.constant 0 : i32
      %dma_wait3A_219 = arith.constant 0 : i32
      %dma_wait3A_220 = tpu.memref_slice %arg11[%dma_wait3A_218, %dma_wait3A_219] : memref<100001x32xbf16, #tpu.memory_space<vmem_shared>> -> memref<100001x32xbf16, #tpu.memory_space<vmem_shared>>
      tpu.wait_indirect_dma semaphore(%arg20 : memref<!tpu.dma_semaphore, #tpu.memory_space<semaphore_mem>>) src(%dma_wait3A_220 : memref<100001x32xbf16, #tpu.memory_space<vmem_shared>>) dst(%dma_wait3A_215 : memref<32x32xbf16, #tpu.memory_space<vmem>>)
      %dma_wait3A_221 = arith.constant 32 : i32
      %dma_wait3A_222 = arith.constant 0 : i32
      %dma_wait3A_223 = tpu.memref_slice %arg16[%dma_wait3A_221, %dma_wait3A_222] : memref<128x32xbf16, #tpu.memory_space<vmem>> -> memref<32x32xbf16, #tpu.memory_space<vmem>>
      %dma_wait3A_224 = arith.constant 32 : i32
      %dma_wait3A_225 = tpu.memref_slice %arg12[%dma_wait3A_224] : memref<128xi32, #tpu.memory_space<vmem>> -> memref<32xi32, #tpu.memory_space<vmem>>
      %dma_wait3A_226 = arith.constant 0 : i32
      %dma_wait3A_227 = arith.constant 0 : i32
      %dma_wait3A_228 = tpu.memref_slice %arg11[%dma_wait3A_226, %dma_wait3A_227] : memref<100001x32xbf16, #tpu.memory_space<vmem_shared>> -> memref<100001x32xbf16, #tpu.memory_space<vmem_shared>>
      tpu.wait_indirect_dma semaphore(%arg20 : memref<!tpu.dma_semaphore, #tpu.memory_space<semaphore_mem>>) src(%dma_wait3A_228 : memref<100001x32xbf16, #tpu.memory_space<vmem_shared>>) dst(%dma_wait3A_223 : memref<32x32xbf16, #tpu.memory_space<vmem>>)
      %dma_wait3A_229 = arith.constant 64 : i32
      %dma_wait3A_230 = arith.constant 0 : i32
      %dma_wait3A_231 = tpu.memref_slice %arg16[%dma_wait3A_229, %dma_wait3A_230] : memref<128x32xbf16, #tpu.memory_space<vmem>> -> memref<32x32xbf16, #tpu.memory_space<vmem>>
      %dma_wait3A_232 = arith.constant 64 : i32
      %dma_wait3A_233 = tpu.memref_slice %arg12[%dma_wait3A_232] : memref<128xi32, #tpu.memory_space<vmem>> -> memref<32xi32, #tpu.memory_space<vmem>>
      %dma_wait3A_234 = arith.constant 0 : i32
      %dma_wait3A_235 = arith.constant 0 : i32
      %dma_wait3A_236 = tpu.memref_slice %arg11[%dma_wait3A_234, %dma_wait3A_235] : memref<100001x32xbf16, #tpu.memory_space<vmem_shared>> -> memref<100001x32xbf16, #tpu.memory_space<vmem_shared>>
      tpu.wait_indirect_dma semaphore(%arg20 : memref<!tpu.dma_semaphore, #tpu.memory_space<semaphore_mem>>) src(%dma_wait3A_236 : memref<100001x32xbf16, #tpu.memory_space<vmem_shared>>) dst(%dma_wait3A_231 : memref<32x32xbf16, #tpu.memory_space<vmem>>)
      %dma_wait3A_237 = arith.constant 96 : i32
      %dma_wait3A_238 = arith.constant 0 : i32
      %dma_wait3A_239 = tpu.memref_slice %arg16[%dma_wait3A_237, %dma_wait3A_238] : memref<128x32xbf16, #tpu.memory_space<vmem>> -> memref<32x32xbf16, #tpu.memory_space<vmem>>
      %dma_wait3A_240 = arith.constant 96 : i32
      %dma_wait3A_241 = tpu.memref_slice %arg12[%dma_wait3A_240] : memref<128xi32, #tpu.memory_space<vmem>> -> memref<32xi32, #tpu.memory_space<vmem>>
      %dma_wait3A_242 = arith.constant 0 : i32
      %dma_wait3A_243 = arith.constant 0 : i32
      %dma_wait3A_244 = tpu.memref_slice %arg11[%dma_wait3A_242, %dma_wait3A_243] : memref<100001x32xbf16, #tpu.memory_space<vmem_shared>> -> memref<100001x32xbf16, #tpu.memory_space<vmem_shared>>
      tpu.wait_indirect_dma semaphore(%arg20 : memref<!tpu.dma_semaphore, #tpu.memory_space<semaphore_mem>>) src(%dma_wait3A_244 : memref<100001x32xbf16, #tpu.memory_space<vmem_shared>>) dst(%dma_wait3A_239 : memref<32x32xbf16, #tpu.memory_space<vmem>>)
      %mul3A_245 = arith.constant 128 : i32
      %mul3A_246 = arith.muli %mul3A_170, %mul3A_245 : i32
      %add3A_247 = arith.addi %mul3A_4, %mul3A_246 : i32
      %dma_start3A_248 = arith.constant 0 : i32
      %dma_start3A_249 = tpu.memref_slice %arg9[%arg0, %add3A_247, %dma_start3A_248] : memref<2x204800x32xbf16, #tpu.memory_space<hbm>> -> memref<1x128x32xbf16, #tpu.memory_space<hbm>>
      %dma_start3A_250 = tpu.memref_squeeze %dma_start3A_249 : memref<1x128x32xbf16, #tpu.memory_space<hbm>> -> memref<128x32xbf16, #tpu.memory_space<hbm>>
      %dma_start3A_251 = arith.constant 0 : i32
      %dma_start3A_252 = tpu.memref_slice %arg9[%arg0, %add3A_247, %dma_start3A_251] : memref<2x204800x32xbf16, #tpu.memory_space<hbm>> -> memref<1x128x32xbf16, #tpu.memory_space<hbm>>
      %dma_start3A_253 = tpu.memref_squeeze %dma_start3A_252 : memref<1x128x32xbf16, #tpu.memory_space<hbm>> -> memref<128x32xbf16, #tpu.memory_space<hbm>>
      tpu.enqueue_dma source(%arg16 : memref<128x32xbf16, #tpu.memory_space<vmem>>) target(%dma_start3A_253 : memref<128x32xbf16, #tpu.memory_space<hbm>>) target_semaphore(%arg22 : memref<!tpu.dma_semaphore, #tpu.memory_space<semaphore_mem>>)
      %add3A_254 = arith.constant 1 : i32
      %add3A_255 = arith.addi %scan3A_168, %add3A_254 : i32
      %lt3A = arith.constant 50 : i32
      %lt3A_256 = arith.cmpi slt, %add3A_255, %lt3A : i32
      %convert_element_type3A_257 = arith.extui %lt3A_256 : i1 to i32
      %cond3A_258 = arith.constant 0 : i32
      %cond3A_259 = arith.cmpi ne, %convert_element_type3A_257, %cond3A_258 : i32
      scf.if %cond3A_259 {
        %add3A_305 = arith.constant 2 : i32
        %add3A_306 = arith.addi %mul3A_170, %add3A_305 : i32
        %dma_start3A_307 = arith.constant 0 : i32
        %dma_start3A_308 = tpu.memref_slice %arg7[%arg1, %add3A_306, %dma_start3A_307] : memref<16x100x128xi32, #tpu.memory_space<hbm>> -> memref<1x1x128xi32, #tpu.memory_space<hbm>>
        %dma_start3A_309 = tpu.memref_squeeze %dma_start3A_308 : memref<1x1x128xi32, #tpu.memory_space<hbm>> -> memref<128xi32, #tpu.memory_space<hbm>>
        %dma_start3A_310 = arith.constant 0 : i32
        %dma_start3A_311 = tpu.memref_slice %arg7[%arg1, %add3A_306, %dma_start3A_310] : memref<16x100x128xi32, #tpu.memory_space<hbm>> -> memref<1x1x128xi32, #tpu.memory_space<hbm>>
        %dma_start3A_312 = tpu.memref_squeeze %dma_start3A_311 : memref<1x1x128xi32, #tpu.memory_space<hbm>> -> memref<128xi32, #tpu.memory_space<hbm>>
        tpu.enqueue_dma source(%dma_start3A_312 : memref<128xi32, #tpu.memory_space<hbm>>) target(%arg12 : memref<128xi32, #tpu.memory_space<vmem>>) target_semaphore(%arg28 : memref<!tpu.dma_semaphore, #tpu.memory_space<semaphore_mem>>)
      } else {
      }
      %ge3A_260 = arith.constant 1 : i32
      %ge3A_261 = arith.cmpi sge, %scan3A_168, %ge3A_260 : i32
      %convert_element_type3A_262 = arith.extui %ge3A_261 : i1 to i32
      %cond3A_263 = arith.constant 0 : i32
      %cond3A_264 = arith.cmpi ne, %convert_element_type3A_262, %cond3A_263 : i32
      scf.if %cond3A_264 {
        %dma_wait3A_305 = arith.constant 0 : i32
        %dma_wait3A_306 = tpu.memref_slice %arg9[%arg0, %mul3A_4, %dma_wait3A_305] : memref<2x204800x32xbf16, #tpu.memory_space<hbm>> -> memref<1x128x32xbf16, #tpu.memory_space<hbm>>
        %dma_wait3A_307 = tpu.memref_squeeze %dma_wait3A_306 : memref<1x128x32xbf16, #tpu.memory_space<hbm>> -> memref<128x32xbf16, #tpu.memory_space<hbm>>
        %dma_wait3A_308 = arith.constant 0 : i32
        %dma_wait3A_309 = tpu.memref_slice %arg9[%arg0, %mul3A_4, %dma_wait3A_308] : memref<2x204800x32xbf16, #tpu.memory_space<hbm>> -> memref<1x128x32xbf16, #tpu.memory_space<hbm>>
        %dma_wait3A_310 = tpu.memref_squeeze %dma_wait3A_309 : memref<1x128x32xbf16, #tpu.memory_space<hbm>> -> memref<128x32xbf16, #tpu.memory_space<hbm>>
        tpu.wait_dma2 semaphore(%arg23 : memref<!tpu.dma_semaphore, #tpu.memory_space<semaphore_mem>>) src(%arg17 : memref<128x32xbf16, #tpu.memory_space<vmem>>) dst(%dma_wait3A_310 : memref<128x32xbf16, #tpu.memory_space<hbm>>)
      } else {
      }
      %add3A_265 = arith.constant 1 : i32
      %add3A_266 = arith.addi %mul3A_170, %add3A_265 : i32
      %dma_wait3A_267 = arith.constant 0 : i32
      %dma_wait3A_268 = tpu.memref_slice %arg7[%arg1, %add3A_266, %dma_wait3A_267] : memref<16x100x128xi32, #tpu.memory_space<hbm>> -> memref<1x1x128xi32, #tpu.memory_space<hbm>>
      %dma_wait3A_269 = tpu.memref_squeeze %dma_wait3A_268 : memref<1x1x128xi32, #tpu.memory_space<hbm>> -> memref<128xi32, #tpu.memory_space<hbm>>
      %dma_wait3A_270 = arith.constant 0 : i32
      %dma_wait3A_271 = tpu.memref_slice %arg7[%arg1, %add3A_266, %dma_wait3A_270] : memref<16x100x128xi32, #tpu.memory_space<hbm>> -> memref<1x1x128xi32, #tpu.memory_space<hbm>>
      %dma_wait3A_272 = tpu.memref_squeeze %dma_wait3A_271 : memref<1x1x128xi32, #tpu.memory_space<hbm>> -> memref<128xi32, #tpu.memory_space<hbm>>
      tpu.wait_dma2 semaphore(%arg29 : memref<!tpu.dma_semaphore, #tpu.memory_space<semaphore_mem>>) src(%dma_wait3A_272 : memref<128xi32, #tpu.memory_space<hbm>>) dst(%arg13 : memref<128xi32, #tpu.memory_space<vmem>>)
      %dma_start3A_273 = arith.constant 0 : i32
      %dma_start3A_274 = arith.constant 0 : i32
      %dma_start3A_275 = tpu.memref_slice %arg17[%dma_start3A_273, %dma_start3A_274] : memref<128x32xbf16, #tpu.memory_space<vmem>> -> memref<32x32xbf16, #tpu.memory_space<vmem>>
      %dma_start3A_276 = arith.constant 0 : i32
      %dma_start3A_277 = tpu.memref_slice %arg13[%dma_start3A_276] : memref<128xi32, #tpu.memory_space<vmem>> -> memref<32xi32, #tpu.memory_space<vmem>>
      %dma_start3A_278 = arith.constant 0 : i32
      %dma_start3A_279 = arith.constant 0 : i32
      %dma_start3A_280 = tpu.memref_slice %arg11[%dma_start3A_278, %dma_start3A_279] : memref<100001x32xbf16, #tpu.memory_space<vmem_shared>> -> memref<100001x32xbf16, #tpu.memory_space<vmem_shared>>
      tpu.enqueue_indirect_dma source(%dma_start3A_280 : memref<100001x32xbf16, #tpu.memory_space<vmem_shared>>) target(%dma_start3A_275 : memref<32x32xbf16, #tpu.memory_space<vmem>>) offsets(%dma_start3A_277 : memref<32xi32, #tpu.memory_space<vmem>>) semaphore(%arg21 : memref<!tpu.dma_semaphore, #tpu.memory_space<semaphore_mem>>)
      %dma_start3A_281 = arith.constant 32 : i32
      %dma_start3A_282 = arith.constant 0 : i32
      %dma_start3A_283 = tpu.memref_slice %arg17[%dma_start3A_281, %dma_start3A_282] : memref<128x32xbf16, #tpu.memory_space<vmem>> -> memref<32x32xbf16, #tpu.memory_space<vmem>>
      %dma_start3A_284 = arith.constant 32 : i32
      %dma_start3A_285 = tpu.memref_slice %arg13[%dma_start3A_284] : memref<128xi32, #tpu.memory_space<vmem>> -> memref<32xi32, #tpu.memory_space<vmem>>
      %dma_start3A_286 = arith.constant 0 : i32
      %dma_start3A_287 = arith.constant 0 : i32
      %dma_start3A_288 = tpu.memref_slice %arg11[%dma_start3A_286, %dma_start3A_287] : memref<100001x32xbf16, #tpu.memory_space<vmem_shared>> -> memref<100001x32xbf16, #tpu.memory_space<vmem_shared>>
      tpu.enqueue_indirect_dma source(%dma_start3A_288 : memref<100001x32xbf16, #tpu.memory_space<vmem_shared>>) target(%dma_start3A_283 : memref<32x32xbf16, #tpu.memory_space<vmem>>) offsets(%dma_start3A_285 : memref<32xi32, #tpu.memory_space<vmem>>) semaphore(%arg21 : memref<!tpu.dma_semaphore, #tpu.memory_space<semaphore_mem>>)
      %dma_start3A_289 = arith.constant 64 : i32
      %dma_start3A_290 = arith.constant 0 : i32
      %dma_start3A_291 = tpu.memref_slice %arg17[%dma_start3A_289, %dma_start3A_290] : memref<128x32xbf16, #tpu.memory_space<vmem>> -> memref<32x32xbf16, #tpu.memory_space<vmem>>
      %dma_start3A_292 = arith.constant 64 : i32
      %dma_start3A_293 = tpu.memref_slice %arg13[%dma_start3A_292] : memref<128xi32, #tpu.memory_space<vmem>> -> memref<32xi32, #tpu.memory_space<vmem>>
      %dma_start3A_294 = arith.constant 0 : i32
      %dma_start3A_295 = arith.constant 0 : i32
      %dma_start3A_296 = tpu.memref_slice %arg11[%dma_start3A_294, %dma_start3A_295] : memref<100001x32xbf16, #tpu.memory_space<vmem_shared>> -> memref<100001x32xbf16, #tpu.memory_space<vmem_shared>>
      tpu.enqueue_indirect_dma source(%dma_start3A_296 : memref<100001x32xbf16, #tpu.memory_space<vmem_shared>>) target(%dma_start3A_291 : memref<32x32xbf16, #tpu.memory_space<vmem>>) offsets(%dma_start3A_293 : memref<32xi32, #tpu.memory_space<vmem>>) semaphore(%arg21 : memref<!tpu.dma_semaphore, #tpu.memory_space<semaphore_mem>>)
      %dma_start3A_297 = arith.constant 96 : i32
      %dma_start3A_298 = arith.constant 0 : i32
      %dma_start3A_299 = tpu.memref_slice %arg17[%dma_start3A_297, %dma_start3A_298] : memref<128x32xbf16, #tpu.memory_space<vmem>> -> memref<32x32xbf16, #tpu.memory_space<vmem>>
      %dma_start3A_300 = arith.constant 96 : i32
      %dma_start3A_301 = tpu.memref_slice %arg13[%dma_start3A_300] : memref<128xi32, #tpu.memory_space<vmem>> -> memref<32xi32, #tpu.memory_space<vmem>>
      %dma_start3A_302 = arith.constant 0 : i32
      %dma_start3A_303 = arith.constant 0 : i32
      %dma_start3A_304 = tpu.memref_slice %arg11[%dma_start3A_302, %dma_start3A_303] : memref<100001x32xbf16, #tpu.memory_space<vmem_shared>> -> memref<100001x32xbf16, #tpu.memory_space<vmem_shared>>
      tpu.enqueue_indirect_dma source(%dma_start3A_304 : memref<100001x32xbf16, #tpu.memory_space<vmem_shared>>) target(%dma_start3A_299 : memref<32x32xbf16, #tpu.memory_space<vmem>>) offsets(%dma_start3A_301 : memref<32xi32, #tpu.memory_space<vmem>>) semaphore(%arg21 : memref<!tpu.dma_semaphore, #tpu.memory_space<semaphore_mem>>)
    }
    %scan3A_24 = arith.constant 50 : i32
    %dma_wait3A = arith.constant 0 : i32
    %dma_wait3A_25 = arith.constant 0 : i32
    %dma_wait3A_26 = tpu.memref_slice %arg17[%dma_wait3A, %dma_wait3A_25] : memref<128x32xbf16, #tpu.memory_space<vmem>> -> memref<32x32xbf16, #tpu.memory_space<vmem>>
    %dma_wait3A_27 = arith.constant 0 : i32
    %dma_wait3A_28 = tpu.memref_slice %arg13[%dma_wait3A_27] : memref<128xi32, #tpu.memory_space<vmem>> -> memref<32xi32, #tpu.memory_space<vmem>>
    %dma_wait3A_29 = arith.constant 0 : i32
    %dma_wait3A_30 = arith.constant 0 : i32
    %dma_wait3A_31 = tpu.memref_slice %arg11[%dma_wait3A_29, %dma_wait3A_30] : memref<100001x32xbf16, #tpu.memory_space<vmem_shared>> -> memref<100001x32xbf16, #tpu.memory_space<vmem_shared>>
    tpu.wait_indirect_dma semaphore(%arg21 : memref<!tpu.dma_semaphore, #tpu.memory_space<semaphore_mem>>) src(%dma_wait3A_31 : memref<100001x32xbf16, #tpu.memory_space<vmem_shared>>) dst(%dma_wait3A_26 : memref<32x32xbf16, #tpu.memory_space<vmem>>)
    %dma_wait3A_32 = arith.constant 32 : i32
    %dma_wait3A_33 = arith.constant 0 : i32
    %dma_wait3A_34 = tpu.memref_slice %arg17[%dma_wait3A_32, %dma_wait3A_33] : memref<128x32xbf16, #tpu.memory_space<vmem>> -> memref<32x32xbf16, #tpu.memory_space<vmem>>
    %dma_wait3A_35 = arith.constant 32 : i32
    %dma_wait3A_36 = tpu.memref_slice %arg13[%dma_wait3A_35] : memref<128xi32, #tpu.memory_space<vmem>> -> memref<32xi32, #tpu.memory_space<vmem>>
    %dma_wait3A_37 = arith.constant 0 : i32
    %dma_wait3A_38 = arith.constant 0 : i32
    %dma_wait3A_39 = tpu.memref_slice %arg11[%dma_wait3A_37, %dma_wait3A_38] : memref<100001x32xbf16, #tpu.memory_space<vmem_shared>> -> memref<100001x32xbf16, #tpu.memory_space<vmem_shared>>
    tpu.wait_indirect_dma semaphore(%arg21 : memref<!tpu.dma_semaphore, #tpu.memory_space<semaphore_mem>>) src(%dma_wait3A_39 : memref<100001x32xbf16, #tpu.memory_space<vmem_shared>>) dst(%dma_wait3A_34 : memref<32x32xbf16, #tpu.memory_space<vmem>>)
    %dma_wait3A_40 = arith.constant 64 : i32
    %dma_wait3A_41 = arith.constant 0 : i32
    %dma_wait3A_42 = tpu.memref_slice %arg17[%dma_wait3A_40, %dma_wait3A_41] : memref<128x32xbf16, #tpu.memory_space<vmem>> -> memref<32x32xbf16, #tpu.memory_space<vmem>>
    %dma_wait3A_43 = arith.constant 64 : i32
    %dma_wait3A_44 = tpu.memref_slice %arg13[%dma_wait3A_43] : memref<128xi32, #tpu.memory_space<vmem>> -> memref<32xi32, #tpu.memory_space<vmem>>
    %dma_wait3A_45 = arith.constant 0 : i32
    %dma_wait3A_46 = arith.constant 0 : i32
    %dma_wait3A_47 = tpu.memref_slice %arg11[%dma_wait3A_45, %dma_wait3A_46] : memref<100001x32xbf16, #tpu.memory_space<vmem_shared>> -> memref<100001x32xbf16, #tpu.memory_space<vmem_shared>>
    tpu.wait_indirect_dma semaphore(%arg21 : memref<!tpu.dma_semaphore, #tpu.memory_space<semaphore_mem>>) src(%dma_wait3A_47 : memref<100001x32xbf16, #tpu.memory_space<vmem_shared>>) dst(%dma_wait3A_42 : memref<32x32xbf16, #tpu.memory_space<vmem>>)
    %dma_wait3A_48 = arith.constant 96 : i32
    %dma_wait3A_49 = arith.constant 0 : i32
    %dma_wait3A_50 = tpu.memref_slice %arg17[%dma_wait3A_48, %dma_wait3A_49] : memref<128x32xbf16, #tpu.memory_space<vmem>> -> memref<32x32xbf16, #tpu.memory_space<vmem>>
    %dma_wait3A_51 = arith.constant 96 : i32
    %dma_wait3A_52 = tpu.memref_slice %arg13[%dma_wait3A_51] : memref<128xi32, #tpu.memory_space<vmem>> -> memref<32xi32, #tpu.memory_space<vmem>>
    %dma_wait3A_53 = arith.constant 0 : i32
    %dma_wait3A_54 = arith.constant 0 : i32
    %dma_wait3A_55 = tpu.memref_slice %arg11[%dma_wait3A_53, %dma_wait3A_54] : memref<100001x32xbf16, #tpu.memory_space<vmem_shared>> -> memref<100001x32xbf16, #tpu.memory_space<vmem_shared>>
    tpu.wait_indirect_dma semaphore(%arg21 : memref<!tpu.dma_semaphore, #tpu.memory_space<semaphore_mem>>) src(%dma_wait3A_55 : memref<100001x32xbf16, #tpu.memory_space<vmem_shared>>) dst(%dma_wait3A_50 : memref<32x32xbf16, #tpu.memory_space<vmem>>)
    %add3A_56 = arith.constant 12672 : i32
    %add3A_57 = arith.addi %mul3A_4, %add3A_56 : i32
    %dma_start3A_58 = arith.constant 0 : i32
    %dma_start3A_59 = tpu.memref_slice %arg9[%arg0, %add3A_57, %dma_start3A_58] : memref<2x204800x32xbf16, #tpu.memory_space<hbm>> -> memref<1x128x32xbf16, #tpu.memory_space<hbm>>
    %dma_start3A_60 = tpu.memref_squeeze %dma_start3A_59 : memref<1x128x32xbf16, #tpu.memory_space<hbm>> -> memref<128x32xbf16, #tpu.memory_space<hbm>>
    %dma_start3A_61 = arith.constant 0 : i32
    %dma_start3A_62 = tpu.memref_slice %arg9[%arg0, %add3A_57, %dma_start3A_61] : memref<2x204800x32xbf16, #tpu.memory_space<hbm>> -> memref<1x128x32xbf16, #tpu.memory_space<hbm>>
    %dma_start3A_63 = tpu.memref_squeeze %dma_start3A_62 : memref<1x128x32xbf16, #tpu.memory_space<hbm>> -> memref<128x32xbf16, #tpu.memory_space<hbm>>
    tpu.enqueue_dma source(%arg17 : memref<128x32xbf16, #tpu.memory_space<vmem>>) target(%dma_start3A_63 : memref<128x32xbf16, #tpu.memory_space<hbm>>) target_semaphore(%arg23 : memref<!tpu.dma_semaphore, #tpu.memory_space<semaphore_mem>>)
    %dma_wait3A_64 = arith.constant 0 : i32
    %dma_wait3A_65 = tpu.memref_slice %arg9[%arg0, %mul3A_4, %dma_wait3A_64] : memref<2x204800x32xbf16, #tpu.memory_space<hbm>> -> memref<1x128x32xbf16, #tpu.memory_space<hbm>>
    %dma_wait3A_66 = tpu.memref_squeeze %dma_wait3A_65 : memref<1x128x32xbf16, #tpu.memory_space<hbm>> -> memref<128x32xbf16, #tpu.memory_space<hbm>>
    %dma_wait3A_67 = arith.constant 0 : i32
    %dma_wait3A_68 = tpu.memref_slice %arg9[%arg0, %mul3A_4, %dma_wait3A_67] : memref<2x204800x32xbf16, #tpu.memory_space<hbm>> -> memref<1x128x32xbf16, #tpu.memory_space<hbm>>
    %dma_wait3A_69 = tpu.memref_squeeze %dma_wait3A_68 : memref<1x128x32xbf16, #tpu.memory_space<hbm>> -> memref<128x32xbf16, #tpu.memory_space<hbm>>
    tpu.wait_dma2 semaphore(%arg22 : memref<!tpu.dma_semaphore, #tpu.memory_space<semaphore_mem>>) src(%arg16 : memref<128x32xbf16, #tpu.memory_space<vmem>>) dst(%dma_wait3A_69 : memref<128x32xbf16, #tpu.memory_space<hbm>>)
    %dma_wait3A_70 = arith.constant 0 : i32
    %dma_wait3A_71 = tpu.memref_slice %arg9[%arg0, %mul3A_4, %dma_wait3A_70] : memref<2x204800x32xbf16, #tpu.memory_space<hbm>> -> memref<1x128x32xbf16, #tpu.memory_space<hbm>>
    %dma_wait3A_72 = tpu.memref_squeeze %dma_wait3A_71 : memref<1x128x32xbf16, #tpu.memory_space<hbm>> -> memref<128x32xbf16, #tpu.memory_space<hbm>>
    %dma_wait3A_73 = arith.constant 0 : i32
    %dma_wait3A_74 = tpu.memref_slice %arg9[%arg0, %mul3A_4, %dma_wait3A_73] : memref<2x204800x32xbf16, #tpu.memory_space<hbm>> -> memref<1x128x32xbf16, #tpu.memory_space<hbm>>
    %dma_wait3A_75 = tpu.memref_squeeze %dma_wait3A_74 : memref<1x128x32xbf16, #tpu.memory_space<hbm>> -> memref<128x32xbf16, #tpu.memory_space<hbm>>
    tpu.wait_dma2 semaphore(%arg23 : memref<!tpu.dma_semaphore, #tpu.memory_space<semaphore_mem>>) src(%arg17 : memref<128x32xbf16, #tpu.memory_space<vmem>>) dst(%dma_wait3A_75 : memref<128x32xbf16, #tpu.memory_space<hbm>>)
    %dma_start3A_76 = arith.constant 0 : i32
    %dma_start3A_77 = arith.constant 0 : i32
    %dma_start3A_78 = arith.constant 0 : i32
    %dma_start3A_79 = tpu.memref_slice %arg8[%add3A, %dma_start3A_76, %dma_start3A_77, %dma_start3A_78] : memref<32x80x4x80xi32, #tpu.memory_space<hbm>> -> memref<1x1x4x80xi32, #tpu.memory_space<hbm>>
    %dma_start3A_80 = tpu.memref_squeeze %dma_start3A_79 : memref<1x1x4x80xi32, #tpu.memory_space<hbm>> -> memref<4x80xi32, #tpu.memory_space<hbm>>
    %dma_start3A_81 = arith.constant 0 : i32
    %dma_start3A_82 = arith.constant 0 : i32
    %dma_start3A_83 = tpu.memref_slice %arg8[%add3A, %dma_start3A_76, %dma_start3A_81, %dma_start3A_82] : memref<32x80x4x80xi32, #tpu.memory_space<hbm>> -> memref<1x1x4x80xi32, #tpu.memory_space<hbm>>
    %dma_start3A_84 = tpu.memref_squeeze %dma_start3A_83 : memref<1x1x4x80xi32, #tpu.memory_space<hbm>> -> memref<4x80xi32, #tpu.memory_space<hbm>>
    tpu.enqueue_dma source(%dma_start3A_84 : memref<4x80xi32, #tpu.memory_space<hbm>>) target(%arg14 : memref<4x80xi32, #tpu.memory_space<vmem>>) target_semaphore(%arg30 : memref<!tpu.dma_semaphore, #tpu.memory_space<semaphore_mem>>)
    %dma_start3A_85 = arith.constant 1 : i32
    %dma_start3A_86 = arith.constant 0 : i32
    %dma_start3A_87 = arith.constant 0 : i32
    %dma_start3A_88 = tpu.memref_slice %arg8[%add3A, %dma_start3A_85, %dma_start3A_86, %dma_start3A_87] : memref<32x80x4x80xi32, #tpu.memory_space<hbm>> -> memref<1x1x4x80xi32, #tpu.memory_space<hbm>>
    %dma_start3A_89 = tpu.memref_squeeze %dma_start3A_88 : memref<1x1x4x80xi32, #tpu.memory_space<hbm>> -> memref<4x80xi32, #tpu.memory_space<hbm>>
    %dma_start3A_90 = arith.constant 0 : i32
    %dma_start3A_91 = arith.constant 0 : i32
    %dma_start3A_92 = tpu.memref_slice %arg8[%add3A, %dma_start3A_85, %dma_start3A_90, %dma_start3A_91] : memref<32x80x4x80xi32, #tpu.memory_space<hbm>> -> memref<1x1x4x80xi32, #tpu.memory_space<hbm>>
    %dma_start3A_93 = tpu.memref_squeeze %dma_start3A_92 : memref<1x1x4x80xi32, #tpu.memory_space<hbm>> -> memref<4x80xi32, #tpu.memory_space<hbm>>
    tpu.enqueue_dma source(%dma_start3A_93 : memref<4x80xi32, #tpu.memory_space<hbm>>) target(%arg15 : memref<4x80xi32, #tpu.memory_space<vmem>>) target_semaphore(%arg31 : memref<!tpu.dma_semaphore, #tpu.memory_space<semaphore_mem>>)
    %scan3A_94 = arith.constant 0 : i32
    %scan3A_95 = arith.constant 0 : i32
    %scan3A_96 = arith.constant 40 : i32
    %scan3A_97 = arith.addi %scan3A_95, %scan3A_96 : i32
    %scan3A_98 = arith.constant 1 : i32
    scf.for %scan3A_168 = %scan3A_95 to %scan3A_97 step %scan3A_98  : i32 {
      %mul3A_169 = arith.constant 2 : i32
      %mul3A_170 = arith.muli %mul3A_169, %scan3A_168 : i32
      %ge3A = arith.constant 1 : i32
      %ge3A_171 = arith.cmpi sge, %scan3A_168, %ge3A : i32
      %convert_element_type3A_172 = arith.extui %ge3A_171 : i1 to i32
      %cond3A_173 = arith.constant 0 : i32
      %cond3A_174 = arith.cmpi ne, %convert_element_type3A_172, %cond3A_173 : i32
      scf.if %cond3A_174 {
        %dma_wait3A_357 = arith.constant 0 : i32
        %dma_wait3A_358 = arith.constant 0 : i32
        %dma_wait3A_359 = arith.constant 0 : i32
        %dma_wait3A_360 = arith.constant 0 : i32
        %dma_wait3A_361 = tpu.memref_slice %arg19[%dma_wait3A_358, %dma_wait3A_359, %dma_wait3A_360] : memref<4x80x64xbf16, #tpu.memory_space<vmem>> -> memref<1x80x64xbf16, #tpu.memory_space<vmem>>
        %dma_wait3A_362 = tpu.memref_squeeze %dma_wait3A_361 : memref<1x80x64xbf16, #tpu.memory_space<vmem>> -> memref<80x64xbf16, #tpu.memory_space<vmem>>
        %dma_wait3A_363 = arith.constant 0 : i32
        %dma_wait3A_364 = tpu.memref_slice %arg15[%dma_wait3A_357, %dma_wait3A_363] : memref<4x80xi32, #tpu.memory_space<vmem>> -> memref<1x80xi32, #tpu.memory_space<vmem>>
        %dma_wait3A_365 = tpu.memref_squeeze %dma_wait3A_364 : memref<1x80xi32, #tpu.memory_space<vmem>> -> memref<80xi32, #tpu.memory_space<vmem>>
        %dma_wait3A_366 = arith.constant 0 : i32
        %dma_wait3A_367 = arith.constant 0 : i32
        %dma_wait3A_368 = tpu.memref_slice %arg3[%dma_wait3A_366, %dma_wait3A_367] : memref<1001x64xbf16, #tpu.memory_space<hbm>> -> memref<1001x64xbf16, #tpu.memory_space<hbm>>
        tpu.wait_indirect_dma semaphore(%arg25 : memref<!tpu.dma_semaphore, #tpu.memory_space<semaphore_mem>>) src(%dma_wait3A_368 : memref<1001x64xbf16, #tpu.memory_space<hbm>>) dst(%dma_wait3A_362 : memref<80x64xbf16, #tpu.memory_space<vmem>>)
        %dma_wait3A_369 = arith.constant 1 : i32
        %dma_wait3A_370 = arith.constant 1 : i32
        %dma_wait3A_371 = arith.constant 0 : i32
        %dma_wait3A_372 = arith.constant 0 : i32
        %dma_wait3A_373 = tpu.memref_slice %arg19[%dma_wait3A_370, %dma_wait3A_371, %dma_wait3A_372] : memref<4x80x64xbf16, #tpu.memory_space<vmem>> -> memref<1x80x64xbf16, #tpu.memory_space<vmem>>
        %dma_wait3A_374 = tpu.memref_squeeze %dma_wait3A_373 : memref<1x80x64xbf16, #tpu.memory_space<vmem>> -> memref<80x64xbf16, #tpu.memory_space<vmem>>
        %dma_wait3A_375 = arith.constant 0 : i32
        %dma_wait3A_376 = tpu.memref_slice %arg15[%dma_wait3A_369, %dma_wait3A_375] : memref<4x80xi32, #tpu.memory_space<vmem>> -> memref<1x80xi32, #tpu.memory_space<vmem>>
        %dma_wait3A_377 = tpu.memref_squeeze %dma_wait3A_376 : memref<1x80xi32, #tpu.memory_space<vmem>> -> memref<80xi32, #tpu.memory_space<vmem>>
        %dma_wait3A_378 = arith.constant 0 : i32
        %dma_wait3A_379 = arith.constant 0 : i32
        %dma_wait3A_380 = tpu.memref_slice %arg4[%dma_wait3A_378, %dma_wait3A_379] : memref<1001x64xbf16, #tpu.memory_space<hbm>> -> memref<1001x64xbf16, #tpu.memory_space<hbm>>
        tpu.wait_indirect_dma semaphore(%arg25 : memref<!tpu.dma_semaphore, #tpu.memory_space<semaphore_mem>>) src(%dma_wait3A_380 : memref<1001x64xbf16, #tpu.memory_space<hbm>>) dst(%dma_wait3A_374 : memref<80x64xbf16, #tpu.memory_space<vmem>>)
        %dma_wait3A_381 = arith.constant 2 : i32
        %dma_wait3A_382 = arith.constant 2 : i32
        %dma_wait3A_383 = arith.constant 0 : i32
        %dma_wait3A_384 = arith.constant 0 : i32
        %dma_wait3A_385 = tpu.memref_slice %arg19[%dma_wait3A_382, %dma_wait3A_383, %dma_wait3A_384] : memref<4x80x64xbf16, #tpu.memory_space<vmem>> -> memref<1x80x64xbf16, #tpu.memory_space<vmem>>
        %dma_wait3A_386 = tpu.memref_squeeze %dma_wait3A_385 : memref<1x80x64xbf16, #tpu.memory_space<vmem>> -> memref<80x64xbf16, #tpu.memory_space<vmem>>
        %dma_wait3A_387 = arith.constant 0 : i32
        %dma_wait3A_388 = tpu.memref_slice %arg15[%dma_wait3A_381, %dma_wait3A_387] : memref<4x80xi32, #tpu.memory_space<vmem>> -> memref<1x80xi32, #tpu.memory_space<vmem>>
        %dma_wait3A_389 = tpu.memref_squeeze %dma_wait3A_388 : memref<1x80xi32, #tpu.memory_space<vmem>> -> memref<80xi32, #tpu.memory_space<vmem>>
        %dma_wait3A_390 = arith.constant 0 : i32
        %dma_wait3A_391 = arith.constant 0 : i32
        %dma_wait3A_392 = tpu.memref_slice %arg5[%dma_wait3A_390, %dma_wait3A_391] : memref<1001x64xbf16, #tpu.memory_space<hbm>> -> memref<1001x64xbf16, #tpu.memory_space<hbm>>
        tpu.wait_indirect_dma semaphore(%arg25 : memref<!tpu.dma_semaphore, #tpu.memory_space<semaphore_mem>>) src(%dma_wait3A_392 : memref<1001x64xbf16, #tpu.memory_space<hbm>>) dst(%dma_wait3A_386 : memref<80x64xbf16, #tpu.memory_space<vmem>>)
        %dma_wait3A_393 = arith.constant 3 : i32
        %dma_wait3A_394 = arith.constant 3 : i32
        %dma_wait3A_395 = arith.constant 0 : i32
        %dma_wait3A_396 = arith.constant 0 : i32
        %dma_wait3A_397 = tpu.memref_slice %arg19[%dma_wait3A_394, %dma_wait3A_395, %dma_wait3A_396] : memref<4x80x64xbf16, #tpu.memory_space<vmem>> -> memref<1x80x64xbf16, #tpu.memory_space<vmem>>
        %dma_wait3A_398 = tpu.memref_squeeze %dma_wait3A_397 : memref<1x80x64xbf16, #tpu.memory_space<vmem>> -> memref<80x64xbf16, #tpu.memory_space<vmem>>
        %dma_wait3A_399 = arith.constant 0 : i32
        %dma_wait3A_400 = tpu.memref_slice %arg15[%dma_wait3A_393, %dma_wait3A_399] : memref<4x80xi32, #tpu.memory_space<vmem>> -> memref<1x80xi32, #tpu.memory_space<vmem>>
        %dma_wait3A_401 = tpu.memref_squeeze %dma_wait3A_400 : memref<1x80xi32, #tpu.memory_space<vmem>> -> memref<80xi32, #tpu.memory_space<vmem>>
        %dma_wait3A_402 = arith.constant 0 : i32
        %dma_wait3A_403 = arith.constant 0 : i32
        %dma_wait3A_404 = tpu.memref_slice %arg6[%dma_wait3A_402, %dma_wait3A_403] : memref<1001x64xbf16, #tpu.memory_space<hbm>> -> memref<1001x64xbf16, #tpu.memory_space<hbm>>
        tpu.wait_indirect_dma semaphore(%arg25 : memref<!tpu.dma_semaphore, #tpu.memory_space<semaphore_mem>>) src(%dma_wait3A_404 : memref<1001x64xbf16, #tpu.memory_space<hbm>>) dst(%dma_wait3A_398 : memref<80x64xbf16, #tpu.memory_space<vmem>>)
        %sub3A = arith.constant 1 : i32
        %sub3A_405 = arith.subi %mul3A_170, %sub3A : i32
        %mul3A_406 = arith.constant 80 : i32
        %mul3A_407 = arith.muli %sub3A_405, %mul3A_406 : i32
        %add3A_408 = arith.addi %mul3A_2, %mul3A_407 : i32
        %dma_start3A_409 = arith.constant 0 : i32
        %dma_start3A_410 = arith.constant 0 : i32
        %dma_start3A_411 = tpu.memref_slice %arg10[%dma_start3A_409, %add3A_408, %dma_start3A_410] : memref<4x204800x64xbf16, #tpu.memory_space<hbm>> -> memref<4x80x64xbf16, #tpu.memory_space<hbm>>
        %dma_start3A_412 = arith.constant 0 : i32
        %dma_start3A_413 = arith.constant 0 : i32
        %dma_start3A_414 = tpu.memref_slice %arg10[%dma_start3A_412, %add3A_408, %dma_start3A_413] : memref<4x204800x64xbf16, #tpu.memory_space<hbm>> -> memref<4x80x64xbf16, #tpu.memory_space<hbm>>
        tpu.enqueue_dma source(%arg19 : memref<4x80x64xbf16, #tpu.memory_space<vmem>>) target(%dma_start3A_414 : memref<4x80x64xbf16, #tpu.memory_space<hbm>>) target_semaphore(%arg27 : memref<!tpu.dma_semaphore, #tpu.memory_space<semaphore_mem>>)
        %add3A_415 = arith.constant 1 : i32
        %add3A_416 = arith.addi %mul3A_170, %add3A_415 : i32
        %dma_start3A_417 = arith.constant 0 : i32
        %dma_start3A_418 = arith.constant 0 : i32
        %dma_start3A_419 = tpu.memref_slice %arg8[%add3A, %add3A_416, %dma_start3A_417, %dma_start3A_418] : memref<32x80x4x80xi32, #tpu.memory_space<hbm>> -> memref<1x1x4x80xi32, #tpu.memory_space<hbm>>
        %dma_start3A_420 = tpu.memref_squeeze %dma_start3A_419 : memref<1x1x4x80xi32, #tpu.memory_space<hbm>> -> memref<4x80xi32, #tpu.memory_space<hbm>>
        %dma_start3A_421 = arith.constant 0 : i32
        %dma_start3A_422 = arith.constant 0 : i32
        %dma_start3A_423 = tpu.memref_slice %arg8[%add3A, %add3A_416, %dma_start3A_421, %dma_start3A_422] : memref<32x80x4x80xi32, #tpu.memory_space<hbm>> -> memref<1x1x4x80xi32, #tpu.memory_space<hbm>>
        %dma_start3A_424 = tpu.memref_squeeze %dma_start3A_423 : memref<1x1x4x80xi32, #tpu.memory_space<hbm>> -> memref<4x80xi32, #tpu.memory_space<hbm>>
        tpu.enqueue_dma source(%dma_start3A_424 : memref<4x80xi32, #tpu.memory_space<hbm>>) target(%arg15 : memref<4x80xi32, #tpu.memory_space<vmem>>) target_semaphore(%arg31 : memref<!tpu.dma_semaphore, #tpu.memory_space<semaphore_mem>>)
        %dma_wait3A_425 = arith.constant 0 : i32
        %dma_wait3A_426 = arith.constant 0 : i32
        %dma_wait3A_427 = tpu.memref_slice %arg10[%dma_wait3A_425, %mul3A_2, %dma_wait3A_426] : memref<4x204800x64xbf16, #tpu.memory_space<hbm>> -> memref<4x80x64xbf16, #tpu.memory_space<hbm>>
        %dma_wait3A_428 = arith.constant 0 : i32
        %dma_wait3A_429 = arith.constant 0 : i32
        %dma_wait3A_430 = tpu.memref_slice %arg10[%dma_wait3A_428, %mul3A_2, %dma_wait3A_429] : memref<4x204800x64xbf16, #tpu.memory_space<hbm>> -> memref<4x80x64xbf16, #tpu.memory_space<hbm>>
        tpu.wait_dma2 semaphore(%arg26 : memref<!tpu.dma_semaphore, #tpu.memory_space<semaphore_mem>>) src(%arg18 : memref<4x80x64xbf16, #tpu.memory_space<vmem>>) dst(%dma_wait3A_430 : memref<4x80x64xbf16, #tpu.memory_space<hbm>>)
      } else {
      }
      %dma_wait3A_175 = arith.constant 0 : i32
      %dma_wait3A_176 = arith.constant 0 : i32
      %dma_wait3A_177 = tpu.memref_slice %arg8[%add3A, %mul3A_170, %dma_wait3A_175, %dma_wait3A_176] : memref<32x80x4x80xi32, #tpu.memory_space<hbm>> -> memref<1x1x4x80xi32, #tpu.memory_space<hbm>>
      %dma_wait3A_178 = tpu.memref_squeeze %dma_wait3A_177 : memref<1x1x4x80xi32, #tpu.memory_space<hbm>> -> memref<4x80xi32, #tpu.memory_space<hbm>>
      %dma_wait3A_179 = arith.constant 0 : i32
      %dma_wait3A_180 = arith.constant 0 : i32
      %dma_wait3A_181 = tpu.memref_slice %arg8[%add3A, %mul3A_170, %dma_wait3A_179, %dma_wait3A_180] : memref<32x80x4x80xi32, #tpu.memory_space<hbm>> -> memref<1x1x4x80xi32, #tpu.memory_space<hbm>>
      %dma_wait3A_182 = tpu.memref_squeeze %dma_wait3A_181 : memref<1x1x4x80xi32, #tpu.memory_space<hbm>> -> memref<4x80xi32, #tpu.memory_space<hbm>>
      tpu.wait_dma2 semaphore(%arg30 : memref<!tpu.dma_semaphore, #tpu.memory_space<semaphore_mem>>) src(%dma_wait3A_182 : memref<4x80xi32, #tpu.memory_space<hbm>>) dst(%arg14 : memref<4x80xi32, #tpu.memory_space<vmem>>)
      %dma_start3A_183 = arith.constant 0 : i32
      %dma_start3A_184 = arith.constant 0 : i32
      %dma_start3A_185 = arith.constant 0 : i32
      %dma_start3A_186 = arith.constant 0 : i32
      %dma_start3A_187 = tpu.memref_slice %arg18[%dma_start3A_184, %dma_start3A_185, %dma_start3A_186] : memref<4x80x64xbf16, #tpu.memory_space<vmem>> -> memref<1x80x64xbf16, #tpu.memory_space<vmem>>
      %dma_start3A_188 = tpu.memref_squeeze %dma_start3A_187 : memref<1x80x64xbf16, #tpu.memory_space<vmem>> -> memref<80x64xbf16, #tpu.memory_space<vmem>>
      %dma_start3A_189 = arith.constant 0 : i32
      %dma_start3A_190 = tpu.memref_slice %arg14[%dma_start3A_183, %dma_start3A_189] : memref<4x80xi32, #tpu.memory_space<vmem>> -> memref<1x80xi32, #tpu.memory_space<vmem>>
      %dma_start3A_191 = tpu.memref_squeeze %dma_start3A_190 : memref<1x80xi32, #tpu.memory_space<vmem>> -> memref<80xi32, #tpu.memory_space<vmem>>
      %dma_start3A_192 = arith.constant 0 : i32
      %dma_start3A_193 = arith.constant 0 : i32
      %dma_start3A_194 = tpu.memref_slice %arg3[%dma_start3A_192, %dma_start3A_193] : memref<1001x64xbf16, #tpu.memory_space<hbm>> -> memref<1001x64xbf16, #tpu.memory_space<hbm>>
      tpu.enqueue_indirect_dma source(%dma_start3A_194 : memref<1001x64xbf16, #tpu.memory_space<hbm>>) target(%dma_start3A_188 : memref<80x64xbf16, #tpu.memory_space<vmem>>) offsets(%dma_start3A_191 : memref<80xi32, #tpu.memory_space<vmem>>) semaphore(%arg24 : memref<!tpu.dma_semaphore, #tpu.memory_space<semaphore_mem>>)
      %dma_start3A_195 = arith.constant 1 : i32
      %dma_start3A_196 = arith.constant 1 : i32
      %dma_start3A_197 = arith.constant 0 : i32
      %dma_start3A_198 = arith.constant 0 : i32
      %dma_start3A_199 = tpu.memref_slice %arg18[%dma_start3A_196, %dma_start3A_197, %dma_start3A_198] : memref<4x80x64xbf16, #tpu.memory_space<vmem>> -> memref<1x80x64xbf16, #tpu.memory_space<vmem>>
      %dma_start3A_200 = tpu.memref_squeeze %dma_start3A_199 : memref<1x80x64xbf16, #tpu.memory_space<vmem>> -> memref<80x64xbf16, #tpu.memory_space<vmem>>
      %dma_start3A_201 = arith.constant 0 : i32
      %dma_start3A_202 = tpu.memref_slice %arg14[%dma_start3A_195, %dma_start3A_201] : memref<4x80xi32, #tpu.memory_space<vmem>> -> memref<1x80xi32, #tpu.memory_space<vmem>>
      %dma_start3A_203 = tpu.memref_squeeze %dma_start3A_202 : memref<1x80xi32, #tpu.memory_space<vmem>> -> memref<80xi32, #tpu.memory_space<vmem>>
      %dma_start3A_204 = arith.constant 0 : i32
      %dma_start3A_205 = arith.constant 0 : i32
      %dma_start3A_206 = tpu.memref_slice %arg4[%dma_start3A_204, %dma_start3A_205] : memref<1001x64xbf16, #tpu.memory_space<hbm>> -> memref<1001x64xbf16, #tpu.memory_space<hbm>>
      tpu.enqueue_indirect_dma source(%dma_start3A_206 : memref<1001x64xbf16, #tpu.memory_space<hbm>>) target(%dma_start3A_200 : memref<80x64xbf16, #tpu.memory_space<vmem>>) offsets(%dma_start3A_203 : memref<80xi32, #tpu.memory_space<vmem>>) semaphore(%arg24 : memref<!tpu.dma_semaphore, #tpu.memory_space<semaphore_mem>>)
      %dma_start3A_207 = arith.constant 2 : i32
      %dma_start3A_208 = arith.constant 2 : i32
      %dma_start3A_209 = arith.constant 0 : i32
      %dma_start3A_210 = arith.constant 0 : i32
      %dma_start3A_211 = tpu.memref_slice %arg18[%dma_start3A_208, %dma_start3A_209, %dma_start3A_210] : memref<4x80x64xbf16, #tpu.memory_space<vmem>> -> memref<1x80x64xbf16, #tpu.memory_space<vmem>>
      %dma_start3A_212 = tpu.memref_squeeze %dma_start3A_211 : memref<1x80x64xbf16, #tpu.memory_space<vmem>> -> memref<80x64xbf16, #tpu.memory_space<vmem>>
      %dma_start3A_213 = arith.constant 0 : i32
      %dma_start3A_214 = tpu.memref_slice %arg14[%dma_start3A_207, %dma_start3A_213] : memref<4x80xi32, #tpu.memory_space<vmem>> -> memref<1x80xi32, #tpu.memory_space<vmem>>
      %dma_start3A_215 = tpu.memref_squeeze %dma_start3A_214 : memref<1x80xi32, #tpu.memory_space<vmem>> -> memref<80xi32, #tpu.memory_space<vmem>>
      %dma_start3A_216 = arith.constant 0 : i32
      %dma_start3A_217 = arith.constant 0 : i32
      %dma_start3A_218 = tpu.memref_slice %arg5[%dma_start3A_216, %dma_start3A_217] : memref<1001x64xbf16, #tpu.memory_space<hbm>> -> memref<1001x64xbf16, #tpu.memory_space<hbm>>
      tpu.enqueue_indirect_dma source(%dma_start3A_218 : memref<1001x64xbf16, #tpu.memory_space<hbm>>) target(%dma_start3A_212 : memref<80x64xbf16, #tpu.memory_space<vmem>>) offsets(%dma_start3A_215 : memref<80xi32, #tpu.memory_space<vmem>>) semaphore(%arg24 : memref<!tpu.dma_semaphore, #tpu.memory_space<semaphore_mem>>)
      %dma_start3A_219 = arith.constant 3 : i32
      %dma_start3A_220 = arith.constant 3 : i32
      %dma_start3A_221 = arith.constant 0 : i32
      %dma_start3A_222 = arith.constant 0 : i32
      %dma_start3A_223 = tpu.memref_slice %arg18[%dma_start3A_220, %dma_start3A_221, %dma_start3A_222] : memref<4x80x64xbf16, #tpu.memory_space<vmem>> -> memref<1x80x64xbf16, #tpu.memory_space<vmem>>
      %dma_start3A_224 = tpu.memref_squeeze %dma_start3A_223 : memref<1x80x64xbf16, #tpu.memory_space<vmem>> -> memref<80x64xbf16, #tpu.memory_space<vmem>>
      %dma_start3A_225 = arith.constant 0 : i32
      %dma_start3A_226 = tpu.memref_slice %arg14[%dma_start3A_219, %dma_start3A_225] : memref<4x80xi32, #tpu.memory_space<vmem>> -> memref<1x80xi32, #tpu.memory_space<vmem>>
      %dma_start3A_227 = tpu.memref_squeeze %dma_start3A_226 : memref<1x80xi32, #tpu.memory_space<vmem>> -> memref<80xi32, #tpu.memory_space<vmem>>
      %dma_start3A_228 = arith.constant 0 : i32
      %dma_start3A_229 = arith.constant 0 : i32
      %dma_start3A_230 = tpu.memref_slice %arg6[%dma_start3A_228, %dma_start3A_229] : memref<1001x64xbf16, #tpu.memory_space<hbm>> -> memref<1001x64xbf16, #tpu.memory_space<hbm>>
      tpu.enqueue_indirect_dma source(%dma_start3A_230 : memref<1001x64xbf16, #tpu.memory_space<hbm>>) target(%dma_start3A_224 : memref<80x64xbf16, #tpu.memory_space<vmem>>) offsets(%dma_start3A_227 : memref<80xi32, #tpu.memory_space<vmem>>) semaphore(%arg24 : memref<!tpu.dma_semaphore, #tpu.memory_space<semaphore_mem>>)
      %dma_wait3A_231 = arith.constant 0 : i32
      %dma_wait3A_232 = arith.constant 0 : i32
      %dma_wait3A_233 = arith.constant 0 : i32
      %dma_wait3A_234 = arith.constant 0 : i32
      %dma_wait3A_235 = tpu.memref_slice %arg18[%dma_wait3A_232, %dma_wait3A_233, %dma_wait3A_234] : memref<4x80x64xbf16, #tpu.memory_space<vmem>> -> memref<1x80x64xbf16, #tpu.memory_space<vmem>>
      %dma_wait3A_236 = tpu.memref_squeeze %dma_wait3A_235 : memref<1x80x64xbf16, #tpu.memory_space<vmem>> -> memref<80x64xbf16, #tpu.memory_space<vmem>>
      %dma_wait3A_237 = arith.constant 0 : i32
      %dma_wait3A_238 = tpu.memref_slice %arg14[%dma_wait3A_231, %dma_wait3A_237] : memref<4x80xi32, #tpu.memory_space<vmem>> -> memref<1x80xi32, #tpu.memory_space<vmem>>
      %dma_wait3A_239 = tpu.memref_squeeze %dma_wait3A_238 : memref<1x80xi32, #tpu.memory_space<vmem>> -> memref<80xi32, #tpu.memory_space<vmem>>
      %dma_wait3A_240 = arith.constant 0 : i32
      %dma_wait3A_241 = arith.constant 0 : i32
      %dma_wait3A_242 = tpu.memref_slice %arg3[%dma_wait3A_240, %dma_wait3A_241] : memref<1001x64xbf16, #tpu.memory_space<hbm>> -> memref<1001x64xbf16, #tpu.memory_space<hbm>>
      tpu.wait_indirect_dma semaphore(%arg24 : memref<!tpu.dma_semaphore, #tpu.memory_space<semaphore_mem>>) src(%dma_wait3A_242 : memref<1001x64xbf16, #tpu.memory_space<hbm>>) dst(%dma_wait3A_236 : memref<80x64xbf16, #tpu.memory_space<vmem>>)
      %dma_wait3A_243 = arith.constant 1 : i32
      %dma_wait3A_244 = arith.constant 1 : i32
      %dma_wait3A_245 = arith.constant 0 : i32
      %dma_wait3A_246 = arith.constant 0 : i32
      %dma_wait3A_247 = tpu.memref_slice %arg18[%dma_wait3A_244, %dma_wait3A_245, %dma_wait3A_246] : memref<4x80x64xbf16, #tpu.memory_space<vmem>> -> memref<1x80x64xbf16, #tpu.memory_space<vmem>>
      %dma_wait3A_248 = tpu.memref_squeeze %dma_wait3A_247 : memref<1x80x64xbf16, #tpu.memory_space<vmem>> -> memref<80x64xbf16, #tpu.memory_space<vmem>>
      %dma_wait3A_249 = arith.constant 0 : i32
      %dma_wait3A_250 = tpu.memref_slice %arg14[%dma_wait3A_243, %dma_wait3A_249] : memref<4x80xi32, #tpu.memory_space<vmem>> -> memref<1x80xi32, #tpu.memory_space<vmem>>
      %dma_wait3A_251 = tpu.memref_squeeze %dma_wait3A_250 : memref<1x80xi32, #tpu.memory_space<vmem>> -> memref<80xi32, #tpu.memory_space<vmem>>
      %dma_wait3A_252 = arith.constant 0 : i32
      %dma_wait3A_253 = arith.constant 0 : i32
      %dma_wait3A_254 = tpu.memref_slice %arg4[%dma_wait3A_252, %dma_wait3A_253] : memref<1001x64xbf16, #tpu.memory_space<hbm>> -> memref<1001x64xbf16, #tpu.memory_space<hbm>>
      tpu.wait_indirect_dma semaphore(%arg24 : memref<!tpu.dma_semaphore, #tpu.memory_space<semaphore_mem>>) src(%dma_wait3A_254 : memref<1001x64xbf16, #tpu.memory_space<hbm>>) dst(%dma_wait3A_248 : memref<80x64xbf16, #tpu.memory_space<vmem>>)
      %dma_wait3A_255 = arith.constant 2 : i32
      %dma_wait3A_256 = arith.constant 2 : i32
      %dma_wait3A_257 = arith.constant 0 : i32
      %dma_wait3A_258 = arith.constant 0 : i32
      %dma_wait3A_259 = tpu.memref_slice %arg18[%dma_wait3A_256, %dma_wait3A_257, %dma_wait3A_258] : memref<4x80x64xbf16, #tpu.memory_space<vmem>> -> memref<1x80x64xbf16, #tpu.memory_space<vmem>>
      %dma_wait3A_260 = tpu.memref_squeeze %dma_wait3A_259 : memref<1x80x64xbf16, #tpu.memory_space<vmem>> -> memref<80x64xbf16, #tpu.memory_space<vmem>>
      %dma_wait3A_261 = arith.constant 0 : i32
      %dma_wait3A_262 = tpu.memref_slice %arg14[%dma_wait3A_255, %dma_wait3A_261] : memref<4x80xi32, #tpu.memory_space<vmem>> -> memref<1x80xi32, #tpu.memory_space<vmem>>
      %dma_wait3A_263 = tpu.memref_squeeze %dma_wait3A_262 : memref<1x80xi32, #tpu.memory_space<vmem>> -> memref<80xi32, #tpu.memory_space<vmem>>
      %dma_wait3A_264 = arith.constant 0 : i32
      %dma_wait3A_265 = arith.constant 0 : i32
      %dma_wait3A_266 = tpu.memref_slice %arg5[%dma_wait3A_264, %dma_wait3A_265] : memref<1001x64xbf16, #tpu.memory_space<hbm>> -> memref<1001x64xbf16, #tpu.memory_space<hbm>>
      tpu.wait_indirect_dma semaphore(%arg24 : memref<!tpu.dma_semaphore, #tpu.memory_space<semaphore_mem>>) src(%dma_wait3A_266 : memref<1001x64xbf16, #tpu.memory_space<hbm>>) dst(%dma_wait3A_260 : memref<80x64xbf16, #tpu.memory_space<vmem>>)
      %dma_wait3A_267 = arith.constant 3 : i32
      %dma_wait3A_268 = arith.constant 3 : i32
      %dma_wait3A_269 = arith.constant 0 : i32
      %dma_wait3A_270 = arith.constant 0 : i32
      %dma_wait3A_271 = tpu.memref_slice %arg18[%dma_wait3A_268, %dma_wait3A_269, %dma_wait3A_270] : memref<4x80x64xbf16, #tpu.memory_space<vmem>> -> memref<1x80x64xbf16, #tpu.memory_space<vmem>>
      %dma_wait3A_272 = tpu.memref_squeeze %dma_wait3A_271 : memref<1x80x64xbf16, #tpu.memory_space<vmem>> -> memref<80x64xbf16, #tpu.memory_space<vmem>>
      %dma_wait3A_273 = arith.constant 0 : i32
      %dma_wait3A_274 = tpu.memref_slice %arg14[%dma_wait3A_267, %dma_wait3A_273] : memref<4x80xi32, #tpu.memory_space<vmem>> -> memref<1x80xi32, #tpu.memory_space<vmem>>
      %dma_wait3A_275 = tpu.memref_squeeze %dma_wait3A_274 : memref<1x80xi32, #tpu.memory_space<vmem>> -> memref<80xi32, #tpu.memory_space<vmem>>
      %dma_wait3A_276 = arith.constant 0 : i32
      %dma_wait3A_277 = arith.constant 0 : i32
      %dma_wait3A_278 = tpu.memref_slice %arg6[%dma_wait3A_276, %dma_wait3A_277] : memref<1001x64xbf16, #tpu.memory_space<hbm>> -> memref<1001x64xbf16, #tpu.memory_space<hbm>>
      tpu.wait_indirect_dma semaphore(%arg24 : memref<!tpu.dma_semaphore, #tpu.memory_space<semaphore_mem>>) src(%dma_wait3A_278 : memref<1001x64xbf16, #tpu.memory_space<hbm>>) dst(%dma_wait3A_272 : memref<80x64xbf16, #tpu.memory_space<vmem>>)
      %mul3A_279 = arith.constant 80 : i32
      %mul3A_280 = arith.muli %mul3A_170, %mul3A_279 : i32
      %add3A_281 = arith.addi %mul3A_2, %mul3A_280 : i32
      %dma_start3A_282 = arith.constant 0 : i32
      %dma_start3A_283 = arith.constant 0 : i32
      %dma_start3A_284 = tpu.memref_slice %arg10[%dma_start3A_282, %add3A_281, %dma_start3A_283] : memref<4x204800x64xbf16, #tpu.memory_space<hbm>> -> memref<4x80x64xbf16, #tpu.memory_space<hbm>>
      %dma_start3A_285 = arith.constant 0 : i32
      %dma_start3A_286 = arith.constant 0 : i32
      %dma_start3A_287 = tpu.memref_slice %arg10[%dma_start3A_285, %add3A_281, %dma_start3A_286] : memref<4x204800x64xbf16, #tpu.memory_space<hbm>> -> memref<4x80x64xbf16, #tpu.memory_space<hbm>>
      tpu.enqueue_dma source(%arg18 : memref<4x80x64xbf16, #tpu.memory_space<vmem>>) target(%dma_start3A_287 : memref<4x80x64xbf16, #tpu.memory_space<hbm>>) target_semaphore(%arg26 : memref<!tpu.dma_semaphore, #tpu.memory_space<semaphore_mem>>)
      %add3A_288 = arith.constant 1 : i32
      %add3A_289 = arith.addi %scan3A_168, %add3A_288 : i32
      %lt3A = arith.constant 40 : i32
      %lt3A_290 = arith.cmpi slt, %add3A_289, %lt3A : i32
      %convert_element_type3A_291 = arith.extui %lt3A_290 : i1 to i32
      %cond3A_292 = arith.constant 0 : i32
      %cond3A_293 = arith.cmpi ne, %convert_element_type3A_291, %cond3A_292 : i32
      scf.if %cond3A_293 {
        %add3A_357 = arith.constant 2 : i32
        %add3A_358 = arith.addi %mul3A_170, %add3A_357 : i32
        %dma_start3A_359 = arith.constant 0 : i32
        %dma_start3A_360 = arith.constant 0 : i32
        %dma_start3A_361 = tpu.memref_slice %arg8[%add3A, %add3A_358, %dma_start3A_359, %dma_start3A_360] : memref<32x80x4x80xi32, #tpu.memory_space<hbm>> -> memref<1x1x4x80xi32, #tpu.memory_space<hbm>>
        %dma_start3A_362 = tpu.memref_squeeze %dma_start3A_361 : memref<1x1x4x80xi32, #tpu.memory_space<hbm>> -> memref<4x80xi32, #tpu.memory_space<hbm>>
        %dma_start3A_363 = arith.constant 0 : i32
        %dma_start3A_364 = arith.constant 0 : i32
        %dma_start3A_365 = tpu.memref_slice %arg8[%add3A, %add3A_358, %dma_start3A_363, %dma_start3A_364] : memref<32x80x4x80xi32, #tpu.memory_space<hbm>> -> memref<1x1x4x80xi32, #tpu.memory_space<hbm>>
        %dma_start3A_366 = tpu.memref_squeeze %dma_start3A_365 : memref<1x1x4x80xi32, #tpu.memory_space<hbm>> -> memref<4x80xi32, #tpu.memory_space<hbm>>
        tpu.enqueue_dma source(%dma_start3A_366 : memref<4x80xi32, #tpu.memory_space<hbm>>) target(%arg14 : memref<4x80xi32, #tpu.memory_space<vmem>>) target_semaphore(%arg30 : memref<!tpu.dma_semaphore, #tpu.memory_space<semaphore_mem>>)
      } else {
      }
      %ge3A_294 = arith.constant 1 : i32
      %ge3A_295 = arith.cmpi sge, %scan3A_168, %ge3A_294 : i32
      %convert_element_type3A_296 = arith.extui %ge3A_295 : i1 to i32
      %cond3A_297 = arith.constant 0 : i32
      %cond3A_298 = arith.cmpi ne, %convert_element_type3A_296, %cond3A_297 : i32
      scf.if %cond3A_298 {
        %dma_wait3A_357 = arith.constant 0 : i32
        %dma_wait3A_358 = arith.constant 0 : i32
        %dma_wait3A_359 = tpu.memref_slice %arg10[%dma_wait3A_357, %mul3A_2, %dma_wait3A_358] : memref<4x204800x64xbf16, #tpu.memory_space<hbm>> -> memref<4x80x64xbf16, #tpu.memory_space<hbm>>
        %dma_wait3A_360 = arith.constant 0 : i32
        %dma_wait3A_361 = arith.constant 0 : i32
        %dma_wait3A_362 = tpu.memref_slice %arg10[%dma_wait3A_360, %mul3A_2, %dma_wait3A_361] : memref<4x204800x64xbf16, #tpu.memory_space<hbm>> -> memref<4x80x64xbf16, #tpu.memory_space<hbm>>
        tpu.wait_dma2 semaphore(%arg27 : memref<!tpu.dma_semaphore, #tpu.memory_space<semaphore_mem>>) src(%arg19 : memref<4x80x64xbf16, #tpu.memory_space<vmem>>) dst(%dma_wait3A_362 : memref<4x80x64xbf16, #tpu.memory_space<hbm>>)
      } else {
      }
      %add3A_299 = arith.constant 1 : i32
      %add3A_300 = arith.addi %mul3A_170, %add3A_299 : i32
      %dma_wait3A_301 = arith.constant 0 : i32
      %dma_wait3A_302 = arith.constant 0 : i32
      %dma_wait3A_303 = tpu.memref_slice %arg8[%add3A, %add3A_300, %dma_wait3A_301, %dma_wait3A_302] : memref<32x80x4x80xi32, #tpu.memory_space<hbm>> -> memref<1x1x4x80xi32, #tpu.memory_space<hbm>>
      %dma_wait3A_304 = tpu.memref_squeeze %dma_wait3A_303 : memref<1x1x4x80xi32, #tpu.memory_space<hbm>> -> memref<4x80xi32, #tpu.memory_space<hbm>>
      %dma_wait3A_305 = arith.constant 0 : i32
      %dma_wait3A_306 = arith.constant 0 : i32
      %dma_wait3A_307 = tpu.memref_slice %arg8[%add3A, %add3A_300, %dma_wait3A_305, %dma_wait3A_306] : memref<32x80x4x80xi32, #tpu.memory_space<hbm>> -> memref<1x1x4x80xi32, #tpu.memory_space<hbm>>
      %dma_wait3A_308 = tpu.memref_squeeze %dma_wait3A_307 : memref<1x1x4x80xi32, #tpu.memory_space<hbm>> -> memref<4x80xi32, #tpu.memory_space<hbm>>
      tpu.wait_dma2 semaphore(%arg31 : memref<!tpu.dma_semaphore, #tpu.memory_space<semaphore_mem>>) src(%dma_wait3A_308 : memref<4x80xi32, #tpu.memory_space<hbm>>) dst(%arg15 : memref<4x80xi32, #tpu.memory_space<vmem>>)
      %dma_start3A_309 = arith.constant 0 : i32
      %dma_start3A_310 = arith.constant 0 : i32
      %dma_start3A_311 = arith.constant 0 : i32
      %dma_start3A_312 = arith.constant 0 : i32
      %dma_start3A_313 = tpu.memref_slice %arg19[%dma_start3A_310, %dma_start3A_311, %dma_start3A_312] : memref<4x80x64xbf16, #tpu.memory_space<vmem>> -> memref<1x80x64xbf16, #tpu.memory_space<vmem>>
      %dma_start3A_314 = tpu.memref_squeeze %dma_start3A_313 : memref<1x80x64xbf16, #tpu.memory_space<vmem>> -> memref<80x64xbf16, #tpu.memory_space<vmem>>
      %dma_start3A_315 = arith.constant 0 : i32
      %dma_start3A_316 = tpu.memref_slice %arg15[%dma_start3A_309, %dma_start3A_315] : memref<4x80xi32, #tpu.memory_space<vmem>> -> memref<1x80xi32, #tpu.memory_space<vmem>>
      %dma_start3A_317 = tpu.memref_squeeze %dma_start3A_316 : memref<1x80xi32, #tpu.memory_space<vmem>> -> memref<80xi32, #tpu.memory_space<vmem>>
      %dma_start3A_318 = arith.constant 0 : i32
      %dma_start3A_319 = arith.constant 0 : i32
      %dma_start3A_320 = tpu.memref_slice %arg3[%dma_start3A_318, %dma_start3A_319] : memref<1001x64xbf16, #tpu.memory_space<hbm>> -> memref<1001x64xbf16, #tpu.memory_space<hbm>>
      tpu.enqueue_indirect_dma source(%dma_start3A_320 : memref<1001x64xbf16, #tpu.memory_space<hbm>>) target(%dma_start3A_314 : memref<80x64xbf16, #tpu.memory_space<vmem>>) offsets(%dma_start3A_317 : memref<80xi32, #tpu.memory_space<vmem>>) semaphore(%arg25 : memref<!tpu.dma_semaphore, #tpu.memory_space<semaphore_mem>>)
      %dma_start3A_321 = arith.constant 1 : i32
      %dma_start3A_322 = arith.constant 1 : i32
      %dma_start3A_323 = arith.constant 0 : i32
      %dma_start3A_324 = arith.constant 0 : i32
      %dma_start3A_325 = tpu.memref_slice %arg19[%dma_start3A_322, %dma_start3A_323, %dma_start3A_324] : memref<4x80x64xbf16, #tpu.memory_space<vmem>> -> memref<1x80x64xbf16, #tpu.memory_space<vmem>>
      %dma_start3A_326 = tpu.memref_squeeze %dma_start3A_325 : memref<1x80x64xbf16, #tpu.memory_space<vmem>> -> memref<80x64xbf16, #tpu.memory_space<vmem>>
      %dma_start3A_327 = arith.constant 0 : i32
      %dma_start3A_328 = tpu.memref_slice %arg15[%dma_start3A_321, %dma_start3A_327] : memref<4x80xi32, #tpu.memory_space<vmem>> -> memref<1x80xi32, #tpu.memory_space<vmem>>
      %dma_start3A_329 = tpu.memref_squeeze %dma_start3A_328 : memref<1x80xi32, #tpu.memory_space<vmem>> -> memref<80xi32, #tpu.memory_space<vmem>>
      %dma_start3A_330 = arith.constant 0 : i32
      %dma_start3A_331 = arith.constant 0 : i32
      %dma_start3A_332 = tpu.memref_slice %arg4[%dma_start3A_330, %dma_start3A_331] : memref<1001x64xbf16, #tpu.memory_space<hbm>> -> memref<1001x64xbf16, #tpu.memory_space<hbm>>
      tpu.enqueue_indirect_dma source(%dma_start3A_332 : memref<1001x64xbf16, #tpu.memory_space<hbm>>) target(%dma_start3A_326 : memref<80x64xbf16, #tpu.memory_space<vmem>>) offsets(%dma_start3A_329 : memref<80xi32, #tpu.memory_space<vmem>>) semaphore(%arg25 : memref<!tpu.dma_semaphore, #tpu.memory_space<semaphore_mem>>)
      %dma_start3A_333 = arith.constant 2 : i32
      %dma_start3A_334 = arith.constant 2 : i32
      %dma_start3A_335 = arith.constant 0 : i32
      %dma_start3A_336 = arith.constant 0 : i32
      %dma_start3A_337 = tpu.memref_slice %arg19[%dma_start3A_334, %dma_start3A_335, %dma_start3A_336] : memref<4x80x64xbf16, #tpu.memory_space<vmem>> -> memref<1x80x64xbf16, #tpu.memory_space<vmem>>
      %dma_start3A_338 = tpu.memref_squeeze %dma_start3A_337 : memref<1x80x64xbf16, #tpu.memory_space<vmem>> -> memref<80x64xbf16, #tpu.memory_space<vmem>>
      %dma_start3A_339 = arith.constant 0 : i32
      %dma_start3A_340 = tpu.memref_slice %arg15[%dma_start3A_333, %dma_start3A_339] : memref<4x80xi32, #tpu.memory_space<vmem>> -> memref<1x80xi32, #tpu.memory_space<vmem>>
      %dma_start3A_341 = tpu.memref_squeeze %dma_start3A_340 : memref<1x80xi32, #tpu.memory_space<vmem>> -> memref<80xi32, #tpu.memory_space<vmem>>
      %dma_start3A_342 = arith.constant 0 : i32
      %dma_start3A_343 = arith.constant 0 : i32
      %dma_start3A_344 = tpu.memref_slice %arg5[%dma_start3A_342, %dma_start3A_343] : memref<1001x64xbf16, #tpu.memory_space<hbm>> -> memref<1001x64xbf16, #tpu.memory_space<hbm>>
      tpu.enqueue_indirect_dma source(%dma_start3A_344 : memref<1001x64xbf16, #tpu.memory_space<hbm>>) target(%dma_start3A_338 : memref<80x64xbf16, #tpu.memory_space<vmem>>) offsets(%dma_start3A_341 : memref<80xi32, #tpu.memory_space<vmem>>) semaphore(%arg25 : memref<!tpu.dma_semaphore, #tpu.memory_space<semaphore_mem>>)
      %dma_start3A_345 = arith.constant 3 : i32
      %dma_start3A_346 = arith.constant 3 : i32
      %dma_start3A_347 = arith.constant 0 : i32
      %dma_start3A_348 = arith.constant 0 : i32
      %dma_start3A_349 = tpu.memref_slice %arg19[%dma_start3A_346, %dma_start3A_347, %dma_start3A_348] : memref<4x80x64xbf16, #tpu.memory_space<vmem>> -> memref<1x80x64xbf16, #tpu.memory_space<vmem>>
      %dma_start3A_350 = tpu.memref_squeeze %dma_start3A_349 : memref<1x80x64xbf16, #tpu.memory_space<vmem>> -> memref<80x64xbf16, #tpu.memory_space<vmem>>
      %dma_start3A_351 = arith.constant 0 : i32
      %dma_start3A_352 = tpu.memref_slice %arg15[%dma_start3A_345, %dma_start3A_351] : memref<4x80xi32, #tpu.memory_space<vmem>> -> memref<1x80xi32, #tpu.memory_space<vmem>>
      %dma_start3A_353 = tpu.memref_squeeze %dma_start3A_352 : memref<1x80xi32, #tpu.memory_space<vmem>> -> memref<80xi32, #tpu.memory_space<vmem>>
      %dma_start3A_354 = arith.constant 0 : i32
      %dma_start3A_355 = arith.constant 0 : i32
      %dma_start3A_356 = tpu.memref_slice %arg6[%dma_start3A_354, %dma_start3A_355] : memref<1001x64xbf16, #tpu.memory_space<hbm>> -> memref<1001x64xbf16, #tpu.memory_space<hbm>>
      tpu.enqueue_indirect_dma source(%dma_start3A_356 : memref<1001x64xbf16, #tpu.memory_space<hbm>>) target(%dma_start3A_350 : memref<80x64xbf16, #tpu.memory_space<vmem>>) offsets(%dma_start3A_353 : memref<80xi32, #tpu.memory_space<vmem>>) semaphore(%arg25 : memref<!tpu.dma_semaphore, #tpu.memory_space<semaphore_mem>>)
    }
    %scan3A_99 = arith.constant 40 : i32
    %dma_wait3A_100 = arith.constant 0 : i32
    %dma_wait3A_101 = arith.constant 0 : i32
    %dma_wait3A_102 = arith.constant 0 : i32
    %dma_wait3A_103 = arith.constant 0 : i32
    %dma_wait3A_104 = tpu.memref_slice %arg19[%dma_wait3A_101, %dma_wait3A_102, %dma_wait3A_103] : memref<4x80x64xbf16, #tpu.memory_space<vmem>> -> memref<1x80x64xbf16, #tpu.memory_space<vmem>>
    %dma_wait3A_105 = tpu.memref_squeeze %dma_wait3A_104 : memref<1x80x64xbf16, #tpu.memory_space<vmem>> -> memref<80x64xbf16, #tpu.memory_space<vmem>>
    %dma_wait3A_106 = arith.constant 0 : i32
    %dma_wait3A_107 = tpu.memref_slice %arg15[%dma_wait3A_100, %dma_wait3A_106] : memref<4x80xi32, #tpu.memory_space<vmem>> -> memref<1x80xi32, #tpu.memory_space<vmem>>
    %dma_wait3A_108 = tpu.memref_squeeze %dma_wait3A_107 : memref<1x80xi32, #tpu.memory_space<vmem>> -> memref<80xi32, #tpu.memory_space<vmem>>
    %dma_wait3A_109 = arith.constant 0 : i32
    %dma_wait3A_110 = arith.constant 0 : i32
    %dma_wait3A_111 = tpu.memref_slice %arg3[%dma_wait3A_109, %dma_wait3A_110] : memref<1001x64xbf16, #tpu.memory_space<hbm>> -> memref<1001x64xbf16, #tpu.memory_space<hbm>>
    tpu.wait_indirect_dma semaphore(%arg25 : memref<!tpu.dma_semaphore, #tpu.memory_space<semaphore_mem>>) src(%dma_wait3A_111 : memref<1001x64xbf16, #tpu.memory_space<hbm>>) dst(%dma_wait3A_105 : memref<80x64xbf16, #tpu.memory_space<vmem>>)
    %dma_wait3A_112 = arith.constant 1 : i32
    %dma_wait3A_113 = arith.constant 1 : i32
    %dma_wait3A_114 = arith.constant 0 : i32
    %dma_wait3A_115 = arith.constant 0 : i32
    %dma_wait3A_116 = tpu.memref_slice %arg19[%dma_wait3A_113, %dma_wait3A_114, %dma_wait3A_115] : memref<4x80x64xbf16, #tpu.memory_space<vmem>> -> memref<1x80x64xbf16, #tpu.memory_space<vmem>>
    %dma_wait3A_117 = tpu.memref_squeeze %dma_wait3A_116 : memref<1x80x64xbf16, #tpu.memory_space<vmem>> -> memref<80x64xbf16, #tpu.memory_space<vmem>>
    %dma_wait3A_118 = arith.constant 0 : i32
    %dma_wait3A_119 = tpu.memref_slice %arg15[%dma_wait3A_112, %dma_wait3A_118] : memref<4x80xi32, #tpu.memory_space<vmem>> -> memref<1x80xi32, #tpu.memory_space<vmem>>
    %dma_wait3A_120 = tpu.memref_squeeze %dma_wait3A_119 : memref<1x80xi32, #tpu.memory_space<vmem>> -> memref<80xi32, #tpu.memory_space<vmem>>
    %dma_wait3A_121 = arith.constant 0 : i32
    %dma_wait3A_122 = arith.constant 0 : i32
    %dma_wait3A_123 = tpu.memref_slice %arg4[%dma_wait3A_121, %dma_wait3A_122] : memref<1001x64xbf16, #tpu.memory_space<hbm>> -> memref<1001x64xbf16, #tpu.memory_space<hbm>>
    tpu.wait_indirect_dma semaphore(%arg25 : memref<!tpu.dma_semaphore, #tpu.memory_space<semaphore_mem>>) src(%dma_wait3A_123 : memref<1001x64xbf16, #tpu.memory_space<hbm>>) dst(%dma_wait3A_117 : memref<80x64xbf16, #tpu.memory_space<vmem>>)
    %dma_wait3A_124 = arith.constant 2 : i32
    %dma_wait3A_125 = arith.constant 2 : i32
    %dma_wait3A_126 = arith.constant 0 : i32
    %dma_wait3A_127 = arith.constant 0 : i32
    %dma_wait3A_128 = tpu.memref_slice %arg19[%dma_wait3A_125, %dma_wait3A_126, %dma_wait3A_127] : memref<4x80x64xbf16, #tpu.memory_space<vmem>> -> memref<1x80x64xbf16, #tpu.memory_space<vmem>>
    %dma_wait3A_129 = tpu.memref_squeeze %dma_wait3A_128 : memref<1x80x64xbf16, #tpu.memory_space<vmem>> -> memref<80x64xbf16, #tpu.memory_space<vmem>>
    %dma_wait3A_130 = arith.constant 0 : i32
    %dma_wait3A_131 = tpu.memref_slice %arg15[%dma_wait3A_124, %dma_wait3A_130] : memref<4x80xi32, #tpu.memory_space<vmem>> -> memref<1x80xi32, #tpu.memory_space<vmem>>
    %dma_wait3A_132 = tpu.memref_squeeze %dma_wait3A_131 : memref<1x80xi32, #tpu.memory_space<vmem>> -> memref<80xi32, #tpu.memory_space<vmem>>
    %dma_wait3A_133 = arith.constant 0 : i32
    %dma_wait3A_134 = arith.constant 0 : i32
    %dma_wait3A_135 = tpu.memref_slice %arg5[%dma_wait3A_133, %dma_wait3A_134] : memref<1001x64xbf16, #tpu.memory_space<hbm>> -> memref<1001x64xbf16, #tpu.memory_space<hbm>>
    tpu.wait_indirect_dma semaphore(%arg25 : memref<!tpu.dma_semaphore, #tpu.memory_space<semaphore_mem>>) src(%dma_wait3A_135 : memref<1001x64xbf16, #tpu.memory_space<hbm>>) dst(%dma_wait3A_129 : memref<80x64xbf16, #tpu.memory_space<vmem>>)
    %dma_wait3A_136 = arith.constant 3 : i32
    %dma_wait3A_137 = arith.constant 3 : i32
    %dma_wait3A_138 = arith.constant 0 : i32
    %dma_wait3A_139 = arith.constant 0 : i32
    %dma_wait3A_140 = tpu.memref_slice %arg19[%dma_wait3A_137, %dma_wait3A_138, %dma_wait3A_139] : memref<4x80x64xbf16, #tpu.memory_space<vmem>> -> memref<1x80x64xbf16, #tpu.memory_space<vmem>>
    %dma_wait3A_141 = tpu.memref_squeeze %dma_wait3A_140 : memref<1x80x64xbf16, #tpu.memory_space<vmem>> -> memref<80x64xbf16, #tpu.memory_space<vmem>>
    %dma_wait3A_142 = arith.constant 0 : i32
    %dma_wait3A_143 = tpu.memref_slice %arg15[%dma_wait3A_136, %dma_wait3A_142] : memref<4x80xi32, #tpu.memory_space<vmem>> -> memref<1x80xi32, #tpu.memory_space<vmem>>
    %dma_wait3A_144 = tpu.memref_squeeze %dma_wait3A_143 : memref<1x80xi32, #tpu.memory_space<vmem>> -> memref<80xi32, #tpu.memory_space<vmem>>
    %dma_wait3A_145 = arith.constant 0 : i32
    %dma_wait3A_146 = arith.constant 0 : i32
    %dma_wait3A_147 = tpu.memref_slice %arg6[%dma_wait3A_145, %dma_wait3A_146] : memref<1001x64xbf16, #tpu.memory_space<hbm>> -> memref<1001x64xbf16, #tpu.memory_space<hbm>>
    tpu.wait_indirect_dma semaphore(%arg25 : memref<!tpu.dma_semaphore, #tpu.memory_space<semaphore_mem>>) src(%dma_wait3A_147 : memref<1001x64xbf16, #tpu.memory_space<hbm>>) dst(%dma_wait3A_141 : memref<80x64xbf16, #tpu.memory_space<vmem>>)
    %add3A_148 = arith.constant 6320 : i32
    %add3A_149 = arith.addi %mul3A_2, %add3A_148 : i32
    %dma_start3A_150 = arith.constant 0 : i32
    %dma_start3A_151 = arith.constant 0 : i32
    %dma_start3A_152 = tpu.memref_slice %arg10[%dma_start3A_150, %add3A_149, %dma_start3A_151] : memref<4x204800x64xbf16, #tpu.memory_space<hbm>> -> memref<4x80x64xbf16, #tpu.memory_space<hbm>>
    %dma_start3A_153 = arith.constant 0 : i32
    %dma_start3A_154 = arith.constant 0 : i32
    %dma_start3A_155 = tpu.memref_slice %arg10[%dma_start3A_153, %add3A_149, %dma_start3A_154] : memref<4x204800x64xbf16, #tpu.memory_space<hbm>> -> memref<4x80x64xbf16, #tpu.memory_space<hbm>>
    tpu.enqueue_dma source(%arg19 : memref<4x80x64xbf16, #tpu.memory_space<vmem>>) target(%dma_start3A_155 : memref<4x80x64xbf16, #tpu.memory_space<hbm>>) target_semaphore(%arg27 : memref<!tpu.dma_semaphore, #tpu.memory_space<semaphore_mem>>)
    %dma_wait3A_156 = arith.constant 0 : i32
    %dma_wait3A_157 = arith.constant 0 : i32
    %dma_wait3A_158 = tpu.memref_slice %arg10[%dma_wait3A_156, %mul3A_2, %dma_wait3A_157] : memref<4x204800x64xbf16, #tpu.memory_space<hbm>> -> memref<4x80x64xbf16, #tpu.memory_space<hbm>>
    %dma_wait3A_159 = arith.constant 0 : i32
    %dma_wait3A_160 = arith.constant 0 : i32
    %dma_wait3A_161 = tpu.memref_slice %arg10[%dma_wait3A_159, %mul3A_2, %dma_wait3A_160] : memref<4x204800x64xbf16, #tpu.memory_space<hbm>> -> memref<4x80x64xbf16, #tpu.memory_space<hbm>>
    tpu.wait_dma2 semaphore(%arg26 : memref<!tpu.dma_semaphore, #tpu.memory_space<semaphore_mem>>) src(%arg18 : memref<4x80x64xbf16, #tpu.memory_space<vmem>>) dst(%dma_wait3A_161 : memref<4x80x64xbf16, #tpu.memory_space<hbm>>)
    %dma_wait3A_162 = arith.constant 0 : i32
    %dma_wait3A_163 = arith.constant 0 : i32
    %dma_wait3A_164 = tpu.memref_slice %arg10[%dma_wait3A_162, %mul3A_2, %dma_wait3A_163] : memref<4x204800x64xbf16, #tpu.memory_space<hbm>> -> memref<4x80x64xbf16, #tpu.memory_space<hbm>>
    %dma_wait3A_165 = arith.constant 0 : i32
    %dma_wait3A_166 = arith.constant 0 : i32
    %dma_wait3A_167 = tpu.memref_slice %arg10[%dma_wait3A_165, %mul3A_2, %dma_wait3A_166] : memref<4x204800x64xbf16, #tpu.memory_space<hbm>> -> memref<4x80x64xbf16, #tpu.memory_space<hbm>>
    tpu.wait_dma2 semaphore(%arg27 : memref<!tpu.dma_semaphore, #tpu.memory_space<semaphore_mem>>) src(%arg19 : memref<4x80x64xbf16, #tpu.memory_space<vmem>>) dst(%dma_wait3A_167 : memref<4x80x64xbf16, #tpu.memory_space<hbm>>)
    return
  }
}

module attributes {stable_mosaic.version = 14 : i64} {
  func.func @_tc_proj_body(%arg0: i32, %arg1: memref<2048x1xi32, #tpu.memory_space<vmem>>, %arg2: memref<3x64xbf16, #tpu.memory_space<vmem>>, %arg3: memref<2x2048x32xbf16, #tpu.memory_space<vmem>>, %arg4: memref<4x2048x64xbf16, #tpu.memory_space<vmem>>, %arg5: memref<384x192xbf16, #tpu.memory_space<vmem>>, %arg6: memref<1x192xf32, #tpu.memory_space<vmem>>, %arg7: memref<2048x192xf32, #tpu.memory_space<vmem>>) attributes {dimension_semantics = [#tpu.dimension_semantics<arbitrary>], iteration_bounds = array<i64: 100>, scalar_prefetch = 0 : i64, scratch_operands = 0 : i64, tpu.core_type = #tpu.core_type<tc>, window_params = [{transform_indices = @transform_0, window_bounds = array<i64: 2048, 1>}, {pipeline_mode = #tpu.pipeline_mode<synchronous>, transform_indices = @transform_1, window_bounds = array<i64: 3, 64>}, {transform_indices = @transform_2, window_bounds = array<i64: 2, 2048, 32>}, {transform_indices = @transform_3, window_bounds = array<i64: 4, 2048, 64>}, {pipeline_mode = #tpu.pipeline_mode<synchronous>, transform_indices = @transform_4, window_bounds = array<i64: 384, 192>}, {pipeline_mode = #tpu.pipeline_mode<synchronous>, transform_indices = @transform_5, window_bounds = array<i64: 1, 192>}, {transform_indices = @transform_6, window_bounds = array<i64: 2048, 192>}]} {
    %get3A = arith.constant 0 : index
    %get3A_0 = arith.constant 0 : index
    %get3A_1 = vector.load %arg1[%get3A, %get3A_0] : memref<2048x1xi32, #tpu.memory_space<vmem>>, vector<2048x1xi32>
    %iota3A = tpu.iota {dimensions = array<i32: 1>} : vector<2048x3xi32>
    %eq3A = vector.broadcast %get3A_1 : vector<2048x1xi32> to vector<2048x3xi32>
    %eq3A_2 = arith.cmpi eq, %eq3A, %iota3A : vector<2048x3xi32>
    %convert_element_type3A = arith.extui %eq3A_2 : vector<2048x3xi1> to vector<2048x3xi32>
    %convert_element_type3A_3 = arith.sitofp %convert_element_type3A : vector<2048x3xi32> to vector<2048x3xf32>
    %convert_element_type3A_4 = arith.truncf %convert_element_type3A_3 : vector<2048x3xf32> to vector<2048x3xbf16>
    %get3A_5 = arith.constant 0 : index
    %get3A_6 = arith.constant 0 : index
    %get3A_7 = vector.load %arg2[%get3A_5, %get3A_6] : memref<3x64xbf16, #tpu.memory_space<vmem>>, vector<3x64xbf16>
    %dot_general3A = arith.constant dense<0.000000e+00> : vector<2048x64xf32>
    %dot_general3A_8 = tpu.matmul %convert_element_type3A_4, %get3A_7, %dot_general3A {dimension_numbers = #tpu.dot_dimension_numbers<[1], [0], [0], [1], [0, 0, 1, 1], [], []>, transpose_lhs_hint = false} : vector<2048x3xbf16>, vector<3x64xbf16>, vector<2048x64xf32> -> vector<2048x64xf32>
    %convert_element_type3A_9 = arith.truncf %dot_general3A_8 : vector<2048x64xf32> to vector<2048x64xbf16>
    %get3A_10 = arith.constant 0 : index
    %get3A_11 = arith.constant 0 : index
    %get3A_12 = arith.constant 0 : index
    %get3A_13 = vector.load %arg3[%get3A_10, %get3A_11, %get3A_12] : memref<2x2048x32xbf16, #tpu.memory_space<vmem>>, vector<1x2048x32xbf16>
    %get3A_14 = vector.shape_cast %get3A_13 : vector<1x2048x32xbf16> to vector<2048x32xbf16>
    %get3A_15 = arith.constant 1 : index
    %get3A_16 = arith.constant 0 : index
    %get3A_17 = arith.constant 0 : index
    %get3A_18 = vector.load %arg3[%get3A_15, %get3A_16, %get3A_17] : memref<2x2048x32xbf16, #tpu.memory_space<vmem>>, vector<1x2048x32xbf16>
    %get3A_19 = vector.shape_cast %get3A_18 : vector<1x2048x32xbf16> to vector<2048x32xbf16>
    %get3A_20 = arith.constant 0 : index
    %get3A_21 = arith.constant 0 : index
    %get3A_22 = arith.constant 0 : index
    %get3A_23 = vector.load %arg4[%get3A_20, %get3A_21, %get3A_22] : memref<4x2048x64xbf16, #tpu.memory_space<vmem>>, vector<1x2048x64xbf16>
    %get3A_24 = vector.shape_cast %get3A_23 : vector<1x2048x64xbf16> to vector<2048x64xbf16>
    %get3A_25 = arith.constant 1 : index
    %get3A_26 = arith.constant 0 : index
    %get3A_27 = arith.constant 0 : index
    %get3A_28 = vector.load %arg4[%get3A_25, %get3A_26, %get3A_27] : memref<4x2048x64xbf16, #tpu.memory_space<vmem>>, vector<1x2048x64xbf16>
    %get3A_29 = vector.shape_cast %get3A_28 : vector<1x2048x64xbf16> to vector<2048x64xbf16>
    %get3A_30 = arith.constant 2 : index
    %get3A_31 = arith.constant 0 : index
    %get3A_32 = arith.constant 0 : index
    %get3A_33 = vector.load %arg4[%get3A_30, %get3A_31, %get3A_32] : memref<4x2048x64xbf16, #tpu.memory_space<vmem>>, vector<1x2048x64xbf16>
    %get3A_34 = vector.shape_cast %get3A_33 : vector<1x2048x64xbf16> to vector<2048x64xbf16>
    %get3A_35 = arith.constant 3 : index
    %get3A_36 = arith.constant 0 : index
    %get3A_37 = arith.constant 0 : index
    %get3A_38 = vector.load %arg4[%get3A_35, %get3A_36, %get3A_37] : memref<4x2048x64xbf16, #tpu.memory_space<vmem>>, vector<1x2048x64xbf16>
    %get3A_39 = vector.shape_cast %get3A_38 : vector<1x2048x64xbf16> to vector<2048x64xbf16>
    %concatenate3A = tpu.concatenate %convert_element_type3A_9, %get3A_14, %get3A_19, %get3A_24, %get3A_29, %get3A_34, %get3A_39 in 1 : vector<2048x64xbf16>, vector<2048x32xbf16>, vector<2048x32xbf16>, vector<2048x64xbf16>, vector<2048x64xbf16>, vector<2048x64xbf16>, vector<2048x64xbf16> -> vector<2048x384xbf16>
    %get3A_40 = arith.constant 0 : index
    %get3A_41 = arith.constant 0 : index
    %get3A_42 = vector.load %arg5[%get3A_40, %get3A_41] : memref<384x192xbf16, #tpu.memory_space<vmem>>, vector<384x192xbf16>
    %dot_general3A_43 = arith.constant dense<0.000000e+00> : vector<2048x192xf32>
    %dot_general3A_44 = tpu.matmul %concatenate3A, %get3A_42, %dot_general3A_43 {dimension_numbers = #tpu.dot_dimension_numbers<[1], [0], [0], [1], [0, 0, 1, 1], [], []>, transpose_lhs_hint = false} : vector<2048x384xbf16>, vector<384x192xbf16>, vector<2048x192xf32> -> vector<2048x192xf32>
    %get3A_45 = arith.constant 0 : index
    %get3A_46 = arith.constant 0 : index
    %get3A_47 = vector.load %arg6[%get3A_45, %get3A_46] : memref<1x192xf32, #tpu.memory_space<vmem>>, vector<1x192xf32>
    %add3A = vector.broadcast %get3A_47 : vector<1x192xf32> to vector<2048x192xf32>
    %add3A_48 = arith.addf %dot_general3A_44, %add3A : vector<2048x192xf32>
    %swap3A = arith.constant 0 : index
    %swap3A_49 = arith.constant 0 : index
    %swap3A_50 = vector.load %arg7[%swap3A, %swap3A_49] : memref<2048x192xf32, #tpu.memory_space<vmem>>, vector<2048x192xf32>
    tpu.vector_store %arg7[%swap3A, %swap3A_49], %add3A_48 {strides = array<i32>} : memref<2048x192xf32, #tpu.memory_space<vmem>>, vector<2048x192xf32>,
    return
  }
  func.func @transform_0(%arg0: i32) -> (i32, i32) {
    %c0_i32 = arith.constant 0 : i32
    %c0_i32_0 = arith.constant 0 : i32
    return %arg0, %c0_i32 : i32, i32
  }
  func.func @transform_1(%arg0: i32) -> (i32, i32) {
    %c0_i32 = arith.constant 0 : i32
    %c0_i32_0 = arith.constant 0 : i32
    %c0_i32_1 = arith.constant 0 : i32
    return %c0_i32, %c0_i32_0 : i32, i32
  }
  func.func @transform_2(%arg0: i32) -> (i32, i32, i32) {
    %c0_i32 = arith.constant 0 : i32
    %c0_i32_0 = arith.constant 0 : i32
    %c0_i32_1 = arith.constant 0 : i32
    return %c0_i32, %arg0, %c0_i32_0 : i32, i32, i32
  }
  func.func @transform_3(%arg0: i32) -> (i32, i32, i32) {
    %c0_i32 = arith.constant 0 : i32
    %c0_i32_0 = arith.constant 0 : i32
    %c0_i32_1 = arith.constant 0 : i32
    return %c0_i32, %arg0, %c0_i32_0 : i32, i32, i32
  }
  func.func @transform_4(%arg0: i32) -> (i32, i32) {
    %c0_i32 = arith.constant 0 : i32
    %c0_i32_0 = arith.constant 0 : i32
    %c0_i32_1 = arith.constant 0 : i32
    return %c0_i32, %c0_i32_0 : i32, i32
  }
  func.func @transform_5(%arg0: i32) -> (i32, i32) {
    %c0_i32 = arith.constant 0 : i32
    %c0_i32_0 = arith.constant 0 : i32
    %c0_i32_1 = arith.constant 0 : i32
    return %c0_i32, %c0_i32_0 : i32, i32
  }
  func.func @transform_6(%arg0: i32) -> (i32, i32) {
    %c0_i32 = arith.constant 0 : i32
    %c0_i32_0 = arith.constant 0 : i32
    return %arg0, %c0_i32 : i32, i32
  }
}

</mosaic_0001>

<sc_bundles>
// kernel: _run.4.cloned.1.call-start
scs
__scs_entry_jumppad:
0x0: {  	(pc) =	sbr.rel $0x88, $3  }
0x1: {  	(tag) =	ssettag $0x0;
	lr =	simm.s32 $0x1  }
0x2: {  	[smem:$0x3F96] =	sst lr;
	_ =	strace $0xD0000000  }
0x3: {  	_ = 	snop  }
0x4: {  	_ = 	snop  }
0x5: {  	_ = 	snop  }
0x6: {  	_ = 	snop  }
0x7: {  	_ = 	snop  }
__scs_overlays_trampoline_lowered:
0x8: {  	[smem:$0x3FA5] =	sst s0  }
0x9: {  	[smem:$0x3FA6] =	sst s1  }
0xa: {  	[smem:$0x3FA7] =	sst s2  }
0xb: {  	[smem:$0x3FA8] =	sst s3  }
0xc: {  	[smem:$0x3FA9] =	sst s4  }
0xd: {  	[smem:$0x3FAA] =	sst s5  }
0xe: {  	[smem:$0x3FAB] =	sst s6  }
0xf: {  	[smem:$0x3FAC] =	sst s7  }
0x10: {  	[smem:$0x3FAD] =	sst s8  }
0x11: {  	[smem:$0x3FAE] =	sst s9;
	s0 =	simm.s32 @!p0 $0x0  }
0x12: {  	s1 =	sld [smem:$0x3F94];
	s0 =	simm.s32 @p0 $0x1  }
0x13: {  	[smem:$0x3FAF] =	sst s0;
	s0 =	simm.s32 @!p1 $0x0  }
0x14: {  	s2 =	sld [smem:$0x3F93];
	s0 =	simm.s32 @p1 $0x1  }
0x15: {  	[smem:$0x3FB0] =	sst s0;
	s0 =	simm.s32 @!p2 $0x0  }
0x16: {  	s3 =	sld [smem:$0x3FDB];
	s0 =	simm.s32 @p2 $0x1  }
0x17: {  	s4 =	simm.s32 $0x1BF5;
	[smem:$0x3FB2] =	sst s0  }
0x18: {  	s0 =	sld [smem:$0x3F95];
	_ =	swait.ge [sflag:s4], $0x0  }
0x19: {  	s7 =	sld [smem:$0x3F96]  }
0x1a: {  	s8 =	sadd.s32 $0xFFFFE003, lr  }
0x1b: {  	s9 =	sadd.s32 $0xFFFFFEF7, lr;
	s5 =	simm.s32 $0xFFFFFFFF;
	p2 =	slt.u32 s8, $0xFFFFF086  }
0x1c: {  	p1 =	slt.u32 s9, $0xF7A;
	s5 =	simm.s32 @!p2 $0x0  }
0x1d: {  	s5 =	simm.s32 @p1 $0x1;
	p0 =	seq.s32 s7, s2  }
0x1e: {  	s7 =	smul.u32 @!p0 $0xF7A, s2;
	p2 =	seq.s32 @!p0 s5, $0x0  }
0x1f: {  	s9 =	smul.u32 $0xF7A, s1;
	s8 =	simm.s32 @!p0 $0x1BF5;
	p2 =	por !p2, p0  }
0x20: {  	[sflag:s8] =	ssyncset.s32 @!p0 $0xFFFFF086;
	s6 =	sadd.s32 @!p0 s3, s7;
	s7 =	simm.s32 @!p0 $0x108  }
0x21: {  	s3 =	sadd.s32 s3, s9;
	s6 =	sadd.s32 @!p0 $0x88, s6;
	s7 =	simm.s32 @p2 $0x1082  }
0x22: {  	[simem:s7], [sflag:s8] =	dma.local @!p0 [hbm:s6], $0xF7A  }
0x23: {  	s9 =	sor.u32 $0xD0000000, s2;
	s6 =	simm.s32 $0x108;
	_ =	swait.ge @!p0 [sflag:s8], $0x0  }
0x24: {  	s3 =	sadd.s32 $0x88, s3;
	s6 =	simm.s32 @!p1 $0x1082;
	[sflag:s4] =	ssyncset.s32 $0xFFFFF086  }
0x25: {  	[simem:s6], [sflag:s4] =	dma.local [hbm:s3], $0xF7A  }
0x26: {  	[smem:$0x3F96] =	sst s1;
	(tag) =	ssettag s2;
	_ =	strace s9  }
0x27: {  	s1 =	sld [smem:$0x3FA6]  }
0x28: {  	s2 =	sld [smem:$0x3FA7]  }
0x29: {  	s4 =	sld [smem:$0x3FA9]  }
0x2a: {  	p0 =	seq.s32 s5, $0x0;
	s5 =	sld [smem:$0x3FAA]  }
0x2b: {  	s6 =	sld [smem:$0x3FAB]  }
0x2c: {  	s7 =	sld [smem:$0x3FAC]  }
0x2d: {  	s3 =	simm.s32 $0x108;
	s8 =	sld [smem:$0x3FAD]  }
0x2e: {  	s3 =	simm.s32 @!p0 $0x1082;
	s9 =	sld [smem:$0x3FAE]  }
0x2f: {  	lr =	sadd.s32 s0, s3;
	s0 =	sld [smem:$0x3FA5]  }
0x30: {  	s3 =	sld [smem:$0x3FA8]  }
0x31: {  	[smem:$0x3FB1] =	sst s10  }
0x32: {  	s10 =	sld [smem:$0x3FAF];
	_ =	sdelay $0x3  }
0x33: {  	p0 =	seq.s32 s10, $0x1;
	s10 =	sld [smem:$0x3FB1];
	_ =	sdelay $0x3  }
0x34: {  	[smem:$0x3FB1] =	sst s10  }
0x35: {  	s10 =	sld [smem:$0x3FB0];
	_ =	sdelay $0x3  }
0x36: {  	p1 =	seq.s32 s10, $0x1;
	s10 =	sld [smem:$0x3FB1];
	_ =	sdelay $0x3  }
0x37: {  	[smem:$0x3FB1] =	sst s10  }
0x38: {  	s10 =	sld [smem:$0x3FB2]  }
0x39: {  	_ = 	snop;
	(pc) =	sbr.ind lr, $3  }
0x3a: {  	_ = 	snop  }
0x3b: {  	_ = 	snop  }
0x3c: {  	p2 =	seq.s32 s10, $0x1;
	s10 =	sld [smem:$0x3FB1]  }
0x3d: {  	_ =	shalt  }
0x3e: {  	_ =	shalt  }
0x3f: {  	_ =	shalt  }
0x40: {  	_ =	shalt  }
0x41: {  	_ =	shalt  }
0x42: {  	_ =	shalt  }
0x43: {  	_ =	shalt  }
0x44: {  	_ =	shalt  }
0x45: {  	_ =	shalt  }
0x46: {  	_ =	shalt  }
0x47: {  	_ =	shalt  }
0x48: {  	_ =	shalt  }
0x49: {  	_ =	shalt  }
0x4a: {  	_ =	shalt  }
0x4b: {  	_ =	shalt  }
0x4c: {  	_ =	shalt  }
0x4d: {  	_ =	shalt  }
0x4e: {  	_ =	shalt  }
0x4f: {  	_ =	shalt  }
0x50: {  	_ =	shalt  }
0x51: {  	_ =	shalt  }
0x52: {  	_ =	shalt  }
0x53: {  	_ =	shalt  }
0x54: {  	_ =	shalt  }
0x55: {  	_ =	shalt  }
0x56: {  	_ =	shalt  }
0x57: {  	_ =	shalt  }
0x58: {  	_ =	shalt  }
0x59: {  	_ =	shalt  }
0x5a: {  	_ =	shalt  }
0x5b: {  	_ =	shalt  }
0x5c: {  	_ =	shalt  }
0x5d: {  	_ =	shalt  }
0x5e: {  	_ =	shalt  }
0x5f: {  	_ =	shalt  }
0x60: {  	_ =	shalt  }
0x61: {  	_ =	shalt  }
0x62: {  	_ =	shalt  }
0x63: {  	_ =	shalt  }
0x64: {  	_ =	shalt  }
0x65: {  	_ =	shalt  }
0x66: {  	_ =	shalt  }
0x67: {  	_ =	shalt  }
0x68: {  	_ =	shalt  }
0x69: {  	_ =	shalt  }
0x6a: {  	_ =	shalt  }
0x6b: {  	_ =	shalt  }
0x6c: {  	_ =	shalt  }
0x6d: {  	_ =	shalt  }
0x6e: {  	_ =	shalt  }
0x6f: {  	_ =	shalt  }
0x70: {  	_ =	shalt  }
0x71: {  	_ =	shalt  }
0x72: {  	_ =	shalt  }
0x73: {  	_ =	shalt  }
0x74: {  	_ =	shalt  }
0x75: {  	_ =	shalt  }
0x76: {  	_ =	shalt  }
0x77: {  	_ =	shalt  }
0x78: {  	_ =	shalt  }
0x79: {  	_ =	shalt  }
0x7a: {  	_ =	shalt  }
0x7b: {  	_ =	shalt  }
0x7c: {  	_ =	shalt  }
0x7d: {  	_ =	shalt  }
0x7e: {  	_ =	shalt  }
0x7f: {  	_ =	shalt  }
0x80: {  	_ =	shalt  }
0x81: {  	_ =	shalt  }
0x82: {  	_ =	shalt  }
0x83: {  	_ =	shalt  }
0x84: {  	_ =	shalt  }
0x85: {  	_ =	shalt  }
0x86: {  	_ =	shalt  }
0x87: {  	_ =	shalt  }
.Lfunc_end0:
.L_simem_size_0:
called_computation.1_lowered:
.L_overlay_start_0:
0x88: {  	s2 =	sld [smem:$0x3FD9]  }
0x89: {  	s3 =	sld [smem:$0x3FFE];
	_ =	sdelay $0x1  }
0x8a: {  	s1 =	srdreg.scid  }
0x8b: {  	s0 =	sand.u32 $0x1, s1  }
0x8c: {  	s16 =	sshll.u32 s0, $0xA;
	s2 =	sadd.s32 s3, s2  }
0x8d: {  	s2 =	sadd.s32 s2, s16  }
0x8e: {  	[smem:$0x3FBD] =	sst s2  }
0x8f: {  	_ = 	snop  }
0x90: {  	(tm) =	ssettm $0x1  }
0x91: {  	s17 =	sld [smem:$0x3FFB];
	_ =	sdelay $0x3  }
0x92: {  	_ =	strace s17  }
0x93: {  	s2 =	sld [smem:$0x3FFC];
	_ =	sdelay $0x3  }
0x94: {  	_ =	strace s2  }
0x95: {  	s2 =	sld [smem:$0x3FFD];
	_ =	sdelay $0x3  }
0x96: {  	_ =	strace s2  }
0x97: {  	_ =	strace $0x8FFFFFFF  }
0x98: {  	s18 =	sld [smem:$0x3FDB];
	_ =	sdelay $0x1  }
0x99: {  	s19 =	simm.s32 $_scs_section_size  }
0x9a: {  	s4 =	simm.s32 $_size__tile_overlayer_lowered;
	s5 =	simm.s32 $_tile_overlayer_lowered  }
0x9b: {  	s22 =	simm.s32 $0x1BFF;
	s21 =	sshll.u32 s5, $0x1;
	s2 =	sadd.s32 s19, s18  }
0x9c: {  	s6 =	simm.s32 $0x0;
	s20 =	sshll.u32 s4, $0x1;
	s4 =	sadd.s32 s21, s2  }
0x9d: {  	[timem:s6], [sflag:s22] =	dma.local [hbm:s4], s20  }
0x9e: {  	_ =	swait.ge [sflag:s22], s20  }
0x9f: {  	s3 =	ssub.s32 $0x0, s20;
	[sflag:s22] =	ssyncset.done $0x0  }
0xa0: {  	[sflag:s22] =	ssyncadd.s32 s3;
	_ =	sdelay $0x1  }
0xa1: {  	s23 =	simm.s32 $0x1B8B  }
0xa2: {  	_ =	swait.ge [sflag:s23], $0x1  }
0xa3: {  	[sflag:s23] =	ssyncset.done $0x0  }
0xa4: {  	s25 =	simm.s32 $0x1B8E;
	s24 =	sld [smem:$0x3FFE];
	[sflag:s23] =	ssyncadd.s32 $0xFFFFFFFF  }
0xa5: {  	s26 =	simm.s32 $execute0_lowered;
	[smem:$0x3FD2] =	sst s25  }
0xa6: {  	s4 =	sshll.u32 s26, $0x1;
	_ =	strace $0x80000046;
	[dreg:$0x1] =	wrdreg $0xFFFFFFFF  }
0xa7: {  	s28 =	simm.s32 $_size_execute0_lowered;
	s2 =	sadd.s32 s2, s4;
	[dreg:$0x0] =	wrdreg $0x0  }
0xa8: {  	s4 =	sshll.u32 s28, $0x1;
	[dreg:$0x2] =	wrdreg s2  }
0xa9: {  	[dreg:$0x3] =	wrdreg s4  }
0xaa: {  	[dreg:$0x4] =	wrdreg $0xC0  }
0xab: {  	_ =	task [dreg:s6], $0x5FFFF  }
0xac: {  	[dreg:$0x1] =	wrdreg $0xFFFFFFFF  }
0xad: {  	[dreg:$0x0] =	wrdreg $0x60  }
0xae: {  	[dreg:$0x2] =	wrdreg s24  }
0xaf: {  	[dreg:$0x3] =	wrdreg $0x0  }
0xb0: {  	[dreg:$0x4] =	wrdreg $0x9  }
0xb1: {  	_ =	task.clear_ibuf [dreg:s6], $0x5FFFF;
	_ =	strace $0x90000046  }
0xb2: {  	s29 =	simm.s32 $0x9;
	_ =	strace $0x80000048  }
0xb3: {  	_ =	swait.ge [sflag:s29], $0x1  }
0xb4: {  	[sflag:s29] =	ssyncadd.s32 $0xFFFFFFFF  }
0xb5: {  	_ =	strace $0x90000048  }
0xb6: {  	_ =	sfence  }
0xb7: {  	s30 =	sld [smem:$0x0];
	_ =	sdelay $0x2  }
0xb8: {  	s31 =	sshll.u32 s1, $0xD;
	s1 =	sshrl.u32 s1, $0x2  }
0xb9: {  	s3 =	sand.u32 $0x4000, s31;
	s1 =	sadd.s32 s1, s30  }
0xba: {  	s0 =	sor.u32 s3, s0;
	s1 =	sshll.u32 s1, $0x11  }
0xbb: {  	s0 =	sor.u32 s1, s0  }
0xbc: {  	s0 =	sadd.s32 $0x8F2B, s0  }
0xbd: {  	[sflag:s0] =	ssyncadd.remote.s32 $0x1  }
0xbe: {  	_ =	sfence.sel $0xFFFF  }
0xbf: {  	[dreg:$0x0] =	wrdreg $0xFFFFFFFF;
	(pc) =	sbr.abs _section_cstart, $3  }
0xc0: {  	[dreg:$0x1] =	wrdreg $0xFFFFFFFF  }
0xc1: {  	_ =	task.clear_ibuf [dreg:s6], $0x2FFFF;
	_ =	strace $0x9FFFFFFF  }
0xc2: {  	(tm) =	ssettm $0x7FFFFFFF  }
0xc3: {  	_ =	shalt  }
tec
execute0_lowered:
.L_overlay_start_1:
0x0: {  	(tag) =	ssettag $0x1  }
0x1: {  	s0 =	rddreg [dreg:$0x0]  }
0x2: {  	s1 =	rddreg [dreg:$0x1]  }
0x3: {  	s2 =	srdreg.scid;
	s20 =	simm.s32 $0x0;
	s10 =	stileid.u32  }
0x4: {  	s28 =	simm.s32 $0x20;
	s29 =	simm.s32 $0x18A28;
	s30 =	simm.s32 $0x4  }
0x5: {  	s2 =	sand.u32 $0x1, s2;
	[smem:$0x7FF] =	sst s20;
	s16 =	smul.u32 $0x3200, s10  }
0x6: {  	s5 =	sshll.u32 s10, $0x1;
	s4 =	sadd.s32 $0x4400, s0;
	s18 =	smul.u32 $0x64000, s10  }
0x7: {  	s6 =	sadd.s32 $0x6400, s0;
	s13 =	sadd.s32 $0x7400, s0;
	s23 =	smul.u32 $0x640, s10  }
0x8: {  	s15 =	sadd.s32 $0xD800, s0;
	s8 =	sadd.s32 $0x88400, s0;
	s24 =	smul.u32 $0xC800, s10  }
0x9: {  	s9 =	sadd.s32 $0x150400, s0;
	p0 =	sne.s32 s10, $0x0;
	s17 =	smul.u32 $0x640000, s2  }
0xa: {  	s10 =	simm.s32 $0xB;
	s3 =	sshll.u32 s2, $0x1;
	s25 =	smul.u32 $0x6400, s2  }
0xb: {  	s12 =	sor.u32 s2, s5;
	s14 =	ssub.s32 $0x2, s2;
	s2 =	smul.u32 $0x1900, s2  }
0xc: {  	_ =	strace $0x80000047;
	s5 =	sadd.s32 $0x5400, s0;
	s7 =	smul.u32 $0x1900, s12  }
0xd: {  	s11 =	sadd.s32 s3, s0;
	s3 =	sadd.s32 $0x3400, s0;
	s31 =	smul.u32 $0x6400, s12  }
0xe: {  	s26 =	sshrl.u32 s14, $0x1;
	s21 =	sshrl.u32 s16, $0x3;
	s12 =	smul.u32 $0x64000, s12  }
0xf: {  	s0 =	ssub.s32 s14, s26;
	s11 =	sadd.s32 $0x26800, s11;
	s17 =	sadd.s32 s18, s17  }
0x10: {  	s19 =	sadd.s32 s13, s21;
	s14 =	sadd.s32 s23, s13;
	[dreg:$0x3] =	wrdreg s11  }
0x11: {  	s13 =	simm.s32 $0x8;
	[dreg:$0x4] =	wrdreg s19;
	s19 =	sadd.s32 $0x10, s19  }
0x12: {  	s22 =	sshrl.u32 s17, $0x4;
	s0 =	smax.u32 s0, $0x1;
	[dreg:$0x5] =	wrdreg s19  }
0x13: {  	s11 =	sshrl.u32 s31, $0x3;
	s23 =	sadd.s32 $0xFFFFF000, s17;
	[dreg:$0xb] =	wrdreg s0  }
0x14: {  	s12 =	sshrl.u32 s12, $0x4;
	s21 =	sadd.s32 s22, s8;
	[dreg:$0xc] =	wrdreg s23  }
0x15: {  	s17 =	simm.s32 $0xA;
	s31 =	sadd.s32 s15, s11;
	[dreg:$0x6] =	wrdreg s21  }
0x16: {  	s11 =	sadd.s32 s9, s12;
	s26 =	sadd.s32 $0x6300, s21;
	[dreg:$0x8] =	wrdreg s31  }
0x17: {  	s12 =	simm.s32 $0x19A28;
	s22 =	sadd.s32 $0x28, s31;
	[dreg:$0x7] =	wrdreg s26  }
0x18: {  	s21 =	sadd.s32 s25, s24;
	s11 =	sadd.s32 $0x62C0, s11;
	[dreg:$0x9] =	wrdreg s22  }
0x19: {  	s24 =	sadd.s32 s2, s16;
	[dreg:$0xa] =	wrdreg s11;
	s25 =	sor.u32 $0x280, s21  }
0x1a: {  	s0 =	sshll.u32 s24, $0x2;
	s26 =	sor.u32 $0x140, s21;
	s11 =	simm.s32 $0x1  }
0x1b: {  	s24 =	simm.s32 $0x50;
	s22 =	simm.s32 $0x5;
	s2 =	sshrl.u32 s25, $0x3  }
0x1c: {  	s0 =	sadd.s32 $0xFFFFEC0, s0;
	s31 =	sshrl.u32 s26, $0x3;
	s26 =	simm.s32 $0x9  }
0x1d: {  	s25 =	simm.s32 $0xC;
	s21 =	sadd.s32 s2, s15;
	[dreg:$0xd] =	wrdreg s0  }
0x1e: {  	s23 =	sadd.s32 s31, s15;
	s15 =	simm.s32 $0x1C228;
	s2 =	simm.s32 $0x0  }
.LBB2_1:
0x1f: {  	[dreg:$0xe] =	wrdreg s2  }
0x20: {  	s16 =	sshrl.u32 @!p0 s1, $0x3;
	s2 =	simm.s32 @!p0 $0x1;
	s18 =	simm.s32 @!p0 $0x2  }
0x21: {  	s19 =	simm.s32 @!p0 $0x4;
	s31 =	simm.s32 @!p0 $0x1C0D;
	s0 =	rddreg [dreg:$0x3]  }
0x22: {  	[spmem:s16@s18], [sflag:s31] =	dma.strided @!p0 [hbm:s0@s19], $0x30D42, s2, $0x2   }
0x23: {  	s16 =	simm.s32 @!p0 $0xD  }
0x24: {  	_ =	swait.ge @!p0 [sflag:s16], $0x30D42  }
0x25: {  	[sflag:s16] =	ssyncset.done @!p0 $0x0  }
0x26: {  	[sflag:s16] =	ssyncadd.s32 @!p0 $0xFFFCF2BE  }
0x27: {  	[bflag:$0x0] =	sbarrier.arrive $0xFFFF  }
0x28: {  	s2 =	rddreg [dreg:$0x4]  }
0x29: {  	s16 =	simm.s32 $0x186A8;
	s18 =	rddreg [dreg:$0x5]  }
0x2a: {  	[tilespmem:s16], [sflag:$0x9] =	stream.linear.gather [hbm4b:s2+s20], $0x80, $0x38;
	[tilespmem:$0x1EA28] =	vst v63  }
0x2b: {  	s19 =	simm.s32 $0x18728;
	s31 =	rddreg [dreg:$0x6]  }
0x2c: {  	[tilespmem:s19], [sflag:$0xA] =	stream.linear.gather [hbm4b:s18+s20], $0x80, $0x38;
	[tilespmem:$0x1EA28] =	vst v63  }
0x2d: {  	s16 =	rddreg [dreg:$0xc];
	s19 =	simm.s32 $0x0  }
.LBB2_2:
0x2e: {  	p1 =	seq.s32 s19, $0x0  }
0x2f: {  	s2 =	simm.s32 @!p1 $0x2  }
0x30: {  	_ =	swait.ge @!p1 [sflag:s2], $0x200  }
0x31: {  	[sflag:s2] =	ssyncset.done @!p1 $0x0  }
0x32: {  	[sflag:s2] =	ssyncadd.s32 @!p1 $0xFFFFFE00  }
0x33: {  	_ =	swait.ge @!p1 [sflag:s2], $0x200  }
0x34: {  	[sflag:s2] =	ssyncset.done @!p1 $0x0  }
0x35: {  	[sflag:s2] =	ssyncadd.s32 @!p1 $0xFFFFFE00  }
0x36: {  	_ =	swait.ge @!p1 [sflag:s2], $0x200  }
0x37: {  	[sflag:s2] =	ssyncset.done @!p1 $0x0  }
0x38: {  	[sflag:s2] =	ssyncadd.s32 @!p1 $0xFFFFFE00  }
0x39: {  	_ =	swait.ge @!p1 [sflag:s2], $0x200  }
0x3a: {  	[sflag:s2] =	ssyncset.done @!p1 $0x0  }
0x3b: {  	[sflag:s2] =	ssyncadd.s32 @!p1 $0xFFFFFE00;
	s2 =	sshrl.u32 @!p1 s16, $0x4  }
0x3c: {  	s0 =	simm.s32 @!p1 $0x0;
	s18 =	simm.s32 @!p1 $0x19228;
	s2 =	sadd.s32 @!p1 s8, s2  }
0x3d: {  	[hbm4b:s2+s0] =	stream.linear.scatter @!p1 [tilespmem:s18], [sflag:$0x4], $0x800, $0x38;
	[tilespmem:$0x1EA28] =	vst v63  }
0x3e: {  	s2 =	sadd.s32 @!p1 s19, s14  }
0x3f: {  	s18 =	simm.s32 @!p1 $0x18728;
	s2 =	sadd.s32 @!p1 $0x10, s2  }
0x40: {  	[tilespmem:s18], [sflag:$0xA] =	stream.linear.gather @!p1 [hbm4b:s2+s0], $0x80, $0x38;
	[tilespmem:$0x1EA28] =	vst v63  }
0x41: {  	s0 =	simm.s32 @!p1 $0x3  }
0x42: {  	_ =	swait.ge @!p1 [sflag:s0], $0x800  }
0x43: {  	[sflag:s0] =	ssyncset.done @!p1 $0x0  }
0x44: {  	[sflag:s0] =	ssyncadd.s32 @!p1 $0xFFFFF800  }
0x45: {  	_ =	swait.ge [sflag:s26], $0x80  }
0x46: {  	[sflag:s26] =	ssyncset.done $0x0  }
0x47: {  	s18 =	simm.s32 $0x186A8;
	[sflag:s26] =	ssyncadd.s32 $0xFFFFFF80  }
0x48: {  	[tilespmem:s29], [sflag:$0x1] =	stream.indirect.gather [spmem:s1], $0x10, s18, s28, $0xb8;
	[tilespmem:$0x1EA28] =	vst v63  }
0x49: {  	s2 =	simm.s32 $0x186C8;
	s18 =	simm.s32 $0x18C28  }
0x4a: {  	[tilespmem:s18], [sflag:$0x1] =	stream.indirect.gather [spmem:s1], $0x10, s2, s28, $0xb8;
	[tilespmem:$0x1EA28] =	vst v63  }
0x4b: {  	s2 =	simm.s32 $0x186E8;
	s18 =	simm.s32 $0x18E28  }
0x4c: {  	[tilespmem:s18], [sflag:$0x1] =	stream.indirect.gather [spmem:s1], $0x10, s2, s28, $0xb8;
	[tilespmem:$0x1EA28] =	vst v63  }
0x4d: {  	s2 =	simm.s32 $0x18708;
	s18 =	simm.s32 $0x19028  }
0x4e: {  	[tilespmem:s18], [sflag:$0x1] =	stream.indirect.gather [spmem:s1], $0x10, s2, s28, $0xb8;
	[tilespmem:$0x1EA28] =	vst v63  }
0x4f: {  	_ =	swait.ge [sflag:s11], $0x200  }
0x50: {  	[sflag:s11] =	ssyncset.done $0x0  }
0x51: {  	[sflag:s11] =	ssyncadd.s32 $0xFFFFFE00  }
0x52: {  	_ =	swait.ge [sflag:s11], $0x200  }
0x53: {  	[sflag:s11] =	ssyncset.done $0x0  }
0x54: {  	[sflag:s11] =	ssyncadd.s32 $0xFFFFFE00  }
0x55: {  	_ =	swait.ge [sflag:s11], $0x200  }
0x56: {  	[sflag:s11] =	ssyncset.done $0x0  }
0x57: {  	[sflag:s11] =	ssyncadd.s32 $0xFFFFFE00  }
0x58: {  	_ =	swait.ge [sflag:s11], $0x200  }
0x59: {  	p1 =	seq.s32 s19, $0x620;
	[sflag:s11] =	ssyncset.done $0x0  }
0x5a: {  	p2 =	seq.s32 @!p1 s19, $0x0;
	s0 =	sadd.s32 @!p1 s19, s14;
	[sflag:s11] =	ssyncadd.s32 $0xFFFFFE00  }
0x5b: {  	[hbm4b:s31+s20] =	stream.linear.scatter [tilespmem:s29], [sflag:$0x3], $0x800, $0x38;
	[tilespmem:$0x1EA28] =	vst v63  }
0x5c: {  	s0 =	sadd.s32 @!p1 $0x20, s0;
	s2 =	simm.s32 @!p1 $0x0;
	s18 =	simm.s32 @!p1 $0x186A8  }
0x5d: {  	[tilespmem:s18], [sflag:$0x9] =	stream.linear.gather @!p1 [hbm4b:s0+s2], $0x80, $0x38;
	[tilespmem:$0x1EA28] =	vst v63  }
0x5e: {  	p1 =	por p1, !p2  }
0x5f: {  	_ =	swait.ge @p1 [sflag:s30], $0x800  }
0x60: {  	[sflag:s30] =	ssyncset.done @p1 $0x0  }
0x61: {  	[sflag:s30] =	ssyncadd.s32 @p1 $0xFFFFF800  }
0x62: {  	_ =	swait.ge [sflag:s17], $0x80  }
0x63: {  	s19 =	sadd.s32 $0x20, s19;
	[sflag:s17] =	ssyncset.done $0x0  }
0x64: {  	s2 =	simm.s32 $0x18728;
	s18 =	simm.s32 $0x19228;
	[sflag:s17] =	ssyncadd.s32 $0xFFFFFF80  }
0x65: {  	[tilespmem:s18], [sflag:$0x2] =	stream.indirect.gather [spmem:s1], $0x10, s2, s28, $0xb8;
	[tilespmem:$0x1EA28] =	vst v63  }
0x66: {  	p1 =	sne.s32 s19, $0x640;
	s2 =	simm.s32 $0x18748;
	s18 =	simm.s32 $0x19428  }
0x67: {  	[tilespmem:s18], [sflag:$0x2] =	stream.indirect.gather [spmem:s1], $0x10, s2, s28, $0xb8;
	[tilespmem:$0x1EA28] =	vst v63  }
.Ltmp0:
0x68: {  	_ = 	snop;
	(pc) =	sbr.rel @p1 .LBB2_2-.Ltmp0, $4  }
0x69: {  	s16 =	sadd.s32 $0x2000, s16;
	s2 =	simm.s32 $0x18768;
	s18 =	simm.s32 $0x19628  }
0x6a: {  	[tilespmem:s18], [sflag:$0x2] =	stream.indirect.gather [spmem:s1], $0x10, s2, s28, $0xb8;
	[tilespmem:$0x1EA28] =	vst v63  }
0x6b: {  	s31 =	sadd.s32 $0x200, s31;
	s2 =	simm.s32 $0x18788;
	s18 =	simm.s32 $0x19828  }
0x6c: {  	[tilespmem:s18], [sflag:$0x2] =	stream.indirect.gather [spmem:s1], $0x10, s2, s28, $0xb8;
	[tilespmem:$0x1EA28] =	vst v63  }
0x6d: {  	s0 =	simm.s32 $0x2  }
0x6e: {  	_ =	swait.ge [sflag:s0], $0x200  }
0x6f: {  	[sflag:s0] =	ssyncset.done $0x0  }
0x70: {  	[sflag:s0] =	ssyncadd.s32 $0xFFFFFE00  }
0x71: {  	_ =	swait.ge [sflag:s0], $0x200  }
0x72: {  	[sflag:s0] =	ssyncset.done $0x0  }
0x73: {  	[sflag:s0] =	ssyncadd.s32 $0xFFFFFE00  }
0x74: {  	_ =	swait.ge [sflag:s0], $0x200  }
0x75: {  	[sflag:s0] =	ssyncset.done $0x0  }
0x76: {  	[sflag:s0] =	ssyncadd.s32 $0xFFFFFE00  }
0x77: {  	_ =	swait.ge [sflag:s0], $0x200  }
0x78: {  	s19 =	simm.s32 $0x0;
	s2 =	simm.s32 $0x19228;
	[sflag:s0] =	ssyncset.done $0x0  }
0x79: {  	s20 =	simm.s32 $0x3;
	s18 =	rddreg [dreg:$0x7];
	[sflag:s0] =	ssyncadd.s32 $0xFFFFFE00  }
0x7a: {  	[hbm4b:s18+s19] =	stream.linear.scatter [tilespmem:s2], [sflag:$0x4], $0x800, $0x38;
	[tilespmem:$0x1EA28] =	vst v63  }
0x7b: {  	_ =	swait.ge [sflag:s20], $0x800  }
0x7c: {  	[sflag:s20] =	ssyncset.done $0x0  }
0x7d: {  	[sflag:s20] =	ssyncadd.s32 $0xFFFFF800  }
0x7e: {  	_ =	swait.ge [sflag:s30], $0x800  }
0x7f: {  	[sflag:s30] =	ssyncset.done $0x0;
	s2 =	rddreg [dreg:$0x8]  }
0x80: {  	s16 =	simm.s32 $0x187A8;
	s18 =	rddreg [dreg:$0x9];
	[sflag:s30] =	ssyncadd.s32 $0xFFFFF800  }
0x81: {  	[tilespmem:s16], [sflag:$0xB] =	stream.linear.gather [hbm4b:s2+s19], $0x140, $0x38;
	[tilespmem:$0x1EA28] =	vst v63  }
0x82: {  	s20 =	simm.s32 $0x188E8;
	s31 =	rddreg [dreg:$0xd];
	s16 =	simm.s32 $0x0  }
0x83: {  	[tilespmem:s20], [sflag:$0xC] =	stream.linear.gather [hbm4b:s18+s19], $0x140, $0x38;
	[tilespmem:$0x1EA28] =	vst v63  }
.LBB2_4:
0x84: {  	p1 =	seq.s32 s16, $0x0  }
0x85: {  	s0 =	simm.s32 @!p1 $0x6  }
0x86: {  	_ =	swait.ge @!p1 [sflag:s0], $0xA00  }
0x87: {  	[sflag:s0] =	ssyncset.done @!p1 $0x0  }
0x88: {  	[sflag:s0] =	ssyncadd.s32 @!p1 $0xFFFFF600  }
0x89: {  	_ =	swait.ge @!p1 [sflag:s0], $0xA00  }
0x8a: {  	[sflag:s0] =	ssyncset.done @!p1 $0x0  }
0x8b: {  	[sflag:s0] =	ssyncadd.s32 @!p1 $0xFFFFF600  }
0x8c: {  	_ =	swait.ge @!p1 [sflag:s0], $0xA00  }
0x8d: {  	[sflag:s0] =	ssyncset.done @!p1 $0x0  }
0x8e: {  	[sflag:s0] =	ssyncadd.s32 @!p1 $0xFFFFF600  }
0x8f: {  	s2 =	sand.u32 @!p1 $0xFFFFFC0, s31;
	_ =	swait.ge @!p1 [sflag:s0], $0xA00  }
0x90: {  	s18 =	simm.s32 @!p1 $0x640000;
	s20 =	simm.s32 @!p1 $0x1C228;
	[sflag:s0] =	ssyncset.done @!p1 $0x0  }
0x91: {  	[sflag:s0] =	ssyncadd.s32 @!p1 $0xFFFFF600;
	s0 =	sadd.s32 @!p1 s9, s2;
	s2 =	simm.s32 @!p1 $0xA00  }
0x92: {  	[hbm4b:s0+s2] =	stream.strided.scatter @!p1 [tilespmem:s20], [sflag:$0x8], $0x2800, s18, s2, $0x38;
	[tilespmem:$0x1EA28] =	vst v63  }
0x93: {  	s0 =	sadd.s32 @!p1 s16, s23;
	s2 =	simm.s32 @!p1 $0x0;
	s18 =	simm.s32 @!p1 $0x188E8  }
0x94: {  	[tilespmem:s18], [sflag:$0xC] =	stream.linear.gather @!p1 [hbm4b:s0+s2], $0x140, $0x38;
	[tilespmem:$0x1EA28] =	vst v63  }
0x95: {  	s0 =	simm.s32 @!p1 $0x7  }
0x96: {  	_ =	swait.ge @!p1 [sflag:s0], $0x2800  }
0x97: {  	[sflag:s0] =	ssyncset.done @!p1 $0x0  }
0x98: {  	[sflag:s0] =	ssyncadd.s32 @!p1 $0xFFFFD800  }
0x99: {  	_ =	swait.ge [sflag:s10], $0x140  }
0x9a: {  	[sflag:s10] =	ssyncset.done $0x0  }
0x9b: {  	s2 =	simm.s32 $0x187A8;
	[sflag:s10] =	ssyncadd.s32 $0xFFFFFEC0  }
0x9c: {  	[tilespmem:s12], [sflag:$0x5] =	stream.indirect.gather [hbm4b:s3+s24], $0x20, s2, s24, $0xb8;
	[tilespmem:$0x1EA28] =	vst v63  }
0x9d: {  	s20 =	simm.s32 $0x1A428;
	s18 =	simm.s32 $0x187F8  }
0x9e: {  	[tilespmem:s20], [sflag:$0x5] =	stream.indirect.gather [hbm4b:s4+s24], $0x20, s18, s24, $0xb8;
	[tilespmem:$0x1EA28] =	vst v63  }
0x9f: {  	s18 =	simm.s32 $0x18848;
	s20 =	simm.s32 $0x1AE28  }
0xa0: {  	[tilespmem:s20], [sflag:$0x5] =	stream.indirect.gather [hbm4b:s5+s24], $0x20, s18, s24, $0xb8;
	[tilespmem:$0x1EA28] =	vst v63  }
0xa1: {  	s18 =	simm.s32 $0x18898;
	s20 =	simm.s32 $0x1B828  }
0xa2: {  	[tilespmem:s20], [sflag:$0x5] =	stream.indirect.gather [hbm4b:s6+s24], $0x20, s18, s24, $0xb8;
	[tilespmem:$0x1EA28] =	vst v63  }
0xa3: {  	_ =	swait.ge [sflag:s22], $0xA00  }
0xa4: {  	[sflag:s22] =	ssyncset.done $0x0  }
0xa5: {  	[sflag:s22] =	ssyncadd.s32 $0xFFFFF600  }
0xa6: {  	_ =	swait.ge [sflag:s22], $0xA00  }
0xa7: {  	[sflag:s22] =	ssyncset.done $0x0  }
0xa8: {  	[sflag:s22] =	ssyncadd.s32 $0xFFFFF600  }
0xa9: {  	s0 =	smov.u32 s19;
	_ =	swait.ge [sflag:s22], $0xA00  }
0xaa: {  	s0 =	simm.s32 @p1 $0x0;
	[sflag:s22] =	ssyncset.done $0x0  }
0xab: {  	s0 =	sadd.s32 s7, s0;
	[sflag:s22] =	ssyncadd.s32 $0xFFFFF600  }
0xac: {  	p1 =	seq.s32 s16, $0xC30;
	s0 =	sshll.u32 s0, $0x2;
	_ =	swait.ge [sflag:s22], $0xA00  }
0xad: {  	p2 =	seq.s32 @!p1 s16, $0x0;
	s0 =	sadd.s32 s9, s0;
	[sflag:s22] =	ssyncset.done $0x0  }
0xae: {  	s18 =	simm.s32 $0xA00;
	s20 =	simm.s32 $0x640000;
	[sflag:s22] =	ssyncadd.s32 $0xFFFFF600  }
0xaf: {  	[hbm4b:s0+s18] =	stream.strided.scatter [tilespmem:s12], [sflag:$0x7], $0x2800, s20, s18, $0x38;
	[tilespmem:$0x1EA28] =	vst v63  }
0xb0: {  	s2 =	simm.s32 @!p1 $0x0;
	s0 =	sadd.s32 @!p1 s16, s21;
	s18 =	simm.s32 @!p1 $0x187A8  }
0xb1: {  	[tilespmem:s18], [sflag:$0xB] =	stream.linear.gather @!p1 [hbm4b:s0+s2], $0x140, $0x38;
	[tilespmem:$0x1EA28] =	vst v63  }
0xb2: {  	p1 =	por p1, !p2  }
0xb3: {  	_ =	swait.ge @p1 [sflag:s13], $0x2800  }
0xb4: {  	[sflag:s13] =	ssyncset.done @p1 $0x0  }
0xb5: {  	[sflag:s13] =	ssyncadd.s32 @p1 $0xFFFFD800  }
0xb6: {  	_ =	swait.ge [sflag:s25], $0x140  }
0xb7: {  	[sflag:s25] =	ssyncset.done $0x0  }
0xb8: {  	s16 =	sadd.s32 $0x50, s16;
	s2 =	simm.s32 $0x188E8;
	[sflag:s25] =	ssyncadd.s32 $0xFFFFFEC0  }
0xb9: {  	[tilespmem:s15], [sflag:$0x6] =	stream.indirect.gather [hbm4b:s3+s24], $0x20, s2, s24, $0xb8;
	[tilespmem:$0x1EA28] =	vst v63  }
0xba: {  	s20 =	simm.s32 $0x1CC28;
	s18 =	simm.s32 $0x18938;
	p1 =	sne.s32 s16, $0xC80  }
0xbb: {  	[tilespmem:s20], [sflag:$0x6] =	stream.indirect.gather [hbm4b:s4+s24], $0x20, s18, s24, $0xb8;
	[tilespmem:$0x1EA28] =	vst v63  }
.Ltmp1:
0xbc: {  	_ = 	snop;
	(pc) =	sbr.rel @p1 .LBB2_4-.Ltmp1, $4  }
0xbd: {  	s31 =	sadd.s32 $0x280, s31;
	s18 =	simm.s32 $0x18988;
	s20 =	simm.s32 $0x1D628  }
0xbe: {  	[tilespmem:s20], [sflag:$0x6] =	stream.indirect.gather [hbm4b:s5+s24], $0x20, s18, s24, $0xb8;
	[tilespmem:$0x1EA28] =	vst v63  }
0xbf: {  	s19 =	sadd.s32 $0xA0, s19;
	s18 =	simm.s32 $0x189D8;
	s20 =	simm.s32 $0x1E028  }
0xc0: {  	[tilespmem:s20], [sflag:$0x6] =	stream.indirect.gather [hbm4b:s6+s24], $0x20, s18, s24, $0xb8;
	[tilespmem:$0x1EA28] =	vst v63  }
0xc1: {  	s0 =	simm.s32 $0x6  }
0xc2: {  	_ =	swait.ge [sflag:s0], $0xA00  }
0xc3: {  	[sflag:s0] =	ssyncset.done $0x0  }
0xc4: {  	[sflag:s0] =	ssyncadd.s32 $0xFFFFF600  }
0xc5: {  	_ =	swait.ge [sflag:s0], $0xA00  }
0xc6: {  	[sflag:s0] =	ssyncset.done $0x0  }
0xc7: {  	[sflag:s0] =	ssyncadd.s32 $0xFFFFF600  }
0xc8: {  	_ =	swait.ge [sflag:s0], $0xA00  }
0xc9: {  	[sflag:s0] =	ssyncset.done $0x0  }
0xca: {  	[sflag:s0] =	ssyncadd.s32 $0xFFFFF600  }
0xcb: {  	_ =	swait.ge [sflag:s0], $0xA00  }
0xcc: {  	s2 =	simm.s32 $0xA00;
	s16 =	simm.s32 $0x640000;
	[sflag:s0] =	ssyncset.done $0x0  }
0xcd: {  	s19 =	simm.s32 $0x7;
	s18 =	rddreg [dreg:$0xa];
	[sflag:s0] =	ssyncadd.s32 $0xFFFFF600  }
0xce: {  	[hbm4b:s18+s2] =	stream.strided.scatter [tilespmem:s15], [sflag:$0x8], $0x2800, s16, s2, $0x38;
	[tilespmem:$0x1EA28] =	vst v63  }
0xcf: {  	_ =	swait.ge [sflag:s19], $0x2800  }
0xd0: {  	[sflag:s19] =	ssyncset.done $0x0  }
0xd1: {  	[sflag:s19] =	ssyncadd.s32 $0xFFFFD800  }
0xd2: {  	_ =	swait.ge [sflag:s13], $0x2800  }
0xd3: {  	s20 =	rddreg [dreg:$0xe]  }
0xd4: {  	s31 =	rddreg [dreg:$0xb];
	s2 =	sadd.s32 $0x1, s20  }
0xd5: {  	p1 =	sne.s32 s2, s31  }
.Ltmp2:
0xd6: {  	_ = 	snop;
	(pc) =	sbr.rel @p1 .LBB2_1-.Ltmp2, $3  }
0xd7: {  	_ =	sdelay $0x1  }
0xd8: {  	[sflag:s13] =	ssyncset.done $0x0  }
0xd9: {  	[sflag:s13] =	ssyncadd.s32 $0xFFFFD800;
	s20 =	simm.s32 $0x0  }
0xda: {  	_ =	sfence.sel $0x180000  }
0xdb: {  	[bflag:$0x0] =	sbarrier.arrive $0xFFFF  }
0xdc: {  	_ =	strace $0x90000047  }
0xdd: {  	[bflag:$0x2] =	sbarrier.arrive $0xFFFF  }
0xde: {  	s0 =	rddreg [dreg:$0x2]  }
0xdf: {  	s0 =	sadd.s32 @!p0 $0x100000, s0  }
0xe0: {  	[sflag:s0] =	ssyncadd.tile.s32 @!p0 $0x1;
	_ =	shalt  }
.Lfunc_end2:
_tile_overlayer_lowered:
.L_overlay_start_2:
0xe1: {  	(tag) =	ssettag $0x2  }
0xe2: {  	s0 =	rddreg [dreg:$0x0];
	s2 =	stileid.u32  }
0xe3: {  	s1 =	rddreg [dreg:$0x1];
	p0 =	sne.s32 s2, $0x0  }
0xe4: {  	s3 =	rddreg [dreg:$0x2];
	[bflag:$0x3] =	sbarrier.arrive $0xFFFF;
	s2 =	simm.s32 @!p0 $0x1C0D  }
0xe5: {  	[timem:s3], [sflag:s2] =	dma.local @!p0 [hbm:s0], s1  }
0xe6: {  	s0 =	simm.s32 @!p0 $0xD  }
0xe7: {  	_ =	swait.ge @!p0 [sflag:s0], s1  }
0xe8: {  	s1 =	ssub.s32 @!p0 $0x0, s1;
	[sflag:s0] =	ssyncset.done @!p0 $0x0  }
0xe9: {  	[sflag:s0] =	ssyncadd.s32 @!p0 s1  }
0xea: {  	[bflag:$0x3] =	sbarrier.arrive $0xFFFF  }
0xeb: {  	_ =	shalt  }

// kernel: sparse-core-data-format-call.cloned.1.call-start
scs
called_computation_lowered:
.L_overlay_start_0:
0x0: {  	s2 =	sld [smem:$0x3FD9]  }
0x1: {  	s3 =	sld [smem:$0x3FFE];
	_ =	sdelay $0x1  }
0x2: {  	s1 =	srdreg.scid  }
0x3: {  	s0 =	sand.u32 $0x1, s1  }
0x4: {  	s18 =	sshll.u32 s0, $0xA;
	s2 =	sadd.s32 s3, s2  }
0x5: {  	s2 =	sadd.s32 s2, s18  }
0x6: {  	[smem:$0x3FBD] =	sst s2  }
0x7: {  	_ = 	snop  }
0x8: {  	s2 =	sld [smem:$0x3FD0];
	(tm) =	ssettm $0x1  }
0x9: {  	s19 =	sld [smem:$0x3FFB];
	_ =	sdelay $0x3  }
0xa: {  	_ =	strace s19  }
0xb: {  	s3 =	sld [smem:$0x3FFC];
	_ =	sdelay $0x3  }
0xc: {  	_ =	strace s3  }
0xd: {  	s3 =	sld [smem:$0x3FFD];
	_ =	sdelay $0x3  }
0xe: {  	_ =	strace s3  }
0xf: {  	_ =	strace $0x8FFFFFFF  }
0x10: {  	s20 =	sld [smem:$0x3FDB];
	_ =	sdelay $0x1  }
0x11: {  	s4 =	simm.s32 $_scs_section_size  }
0x12: {  	s5 =	simm.s32 $_size__tile_overlayer_lowered;
	s6 =	simm.s32 $_tile_overlayer_lowered  }
0x13: {  	s23 =	simm.s32 $0x1BFF;
	s22 =	sshll.u32 s6, $0x1;
	s3 =	sadd.s32 s4, s20  }
0x14: {  	s7 =	simm.s32 $0x0;
	s21 =	sshll.u32 s5, $0x1;
	s5 =	sadd.s32 s22, s3  }
0x15: {  	[timem:s7], [sflag:s23] =	dma.local [hbm:s5], s21  }
0x16: {  	_ =	swait.ge [sflag:s23], s21  }
0x17: {  	s4 =	ssub.s32 $0x0, s21;
	[sflag:s23] =	ssyncset.done $0x0  }
0x18: {  	[sflag:s23] =	ssyncadd.s32 s4;
	_ =	sdelay $0x1  }
0x19: {  	s24 =	simm.s32 $0x1B8B  }
0x1a: {  	_ =	swait.ge [sflag:s24], $0x1  }
0x1b: {  	[sflag:s24] =	ssyncset.done $0x0  }
0x1c: {  	s26 =	simm.s32 $0x1B8E;
	s25 =	sld [smem:$0x3FFE];
	[sflag:s24] =	ssyncadd.s32 $0xFFFFFFFF  }
0x1d: {  	s27 =	simm.s32 $execute0_lowered;
	[smem:$0x3FD2] =	sst s26  }
0x1e: {  	s5 =	sshll.u32 s27, $0x1;
	_ =	strace $0x80000049;
	[dreg:$0x1] =	wrdreg $0xFFFFFFFF  }
0x1f: {  	s28 =	simm.s32 $_size_execute0_lowered;
	s3 =	sadd.s32 s3, s5;
	[dreg:$0x0] =	wrdreg $0x0  }
0x20: {  	s5 =	sshll.u32 s28, $0x1;
	[dreg:$0x2] =	wrdreg s3  }
0x21: {  	[dreg:$0x3] =	wrdreg s5  }
0x22: {  	[dreg:$0x4] =	wrdreg $0xC0  }
0x23: {  	_ =	task [dreg:s7], $0x5FFFF  }
0x24: {  	[dreg:$0x1] =	wrdreg $0xFFFFFFFF  }
0x25: {  	[dreg:$0x0] =	wrdreg $0x60  }
0x26: {  	[dreg:$0x2] =	wrdreg s25  }
0x27: {  	[dreg:$0x3] =	wrdreg s2  }
0x28: {  	[dreg:$0x4] =	wrdreg $0x9  }
0x29: {  	_ =	task.clear_ibuf [dreg:s7], $0x5FFFF;
	_ =	strace $0x90000049  }
0x2a: {  	s29 =	simm.s32 $0x9;
	_ =	strace $0x8000004B  }
0x2b: {  	_ =	swait.ge [sflag:s29], $0x1  }
0x2c: {  	[sflag:s29] =	ssyncadd.s32 $0xFFFFFFFF  }
0x2d: {  	_ =	strace $0x9000004B  }
0x2e: {  	_ =	sfence  }
0x2f: {  	s30 =	sld [smem:$0x0];
	_ =	sdelay $0x2  }
0x30: {  	s31 =	sshll.u32 s1, $0xD;
	s1 =	sshrl.u32 s1, $0x2  }
0x31: {  	s3 =	sand.u32 $0x4000, s31;
	s1 =	sadd.s32 s1, s30  }
0x32: {  	s0 =	sor.u32 s3, s0;
	s1 =	sshll.u32 s1, $0x11  }
0x33: {  	s0 =	sor.u32 s1, s0  }
0x34: {  	s0 =	sadd.s32 $0x8F2B, s0  }
0x35: {  	[sflag:s0] =	ssyncadd.remote.s32 $0x1  }
0x36: {  	_ =	sfence.sel $0xFFFF  }
0x37: {  	[dreg:$0x0] =	wrdreg $0xFFFFFFFF;
	(pc) =	sbr.abs _section_cstart, $3  }
0x38: {  	[dreg:$0x1] =	wrdreg $0xFFFFFFFF  }
0x39: {  	_ =	task.clear_ibuf [dreg:s7], $0x2FFFF;
	_ =	strace $0x9FFFFFFF  }
0x3a: {  	(tm) =	ssettm $0x7FFFFFFF  }
0x3b: {  	_ =	shalt  }
tec
execute0_lowered:
.L_overlay_start_1:
0x0: {  	(tag) =	ssettag $0x1  }
0x1: {  	s4 =	rddreg [dreg:$0x0]  }
0x2: {  	s2 =	rddreg [dreg:$0x1];
	s1 =	stileid.u32  }
0x3: {  	s0 =	rddreg [dreg:$0x2];
	_ =	strace $0x8000004A;
	s10 =	srdreg.scid  }
0x4: {  	s31 =	simm.s32 $0x2;
	s18 =	simm.s32 $0x0;
	s11 =	simm.s32 $0x2000  }
0x5: {  	s19 =	simm.s32 $0x0;
	s20 =	simm.s32 $0x0;
	s12 =	simm.s32 $0x0  }
0x6: {  	s13 =	simm.s32 $0x0;
	s14 =	simm.s32 $0x0;
	s3 =	sshll.u32 s1, $0x7  }
0x7: {  	s17 =	simm.s32 $0x0;
	s4 =	sadd.s32 $0xDD1E00, s4;
	s3 =	sand.u32 $0x380, s3  }
0x8: {  	s5 =	sshrl.u32 s1, $0x3;
	s30 =	sshll.u32 s10, $0x7;
	s6 =	ssub.s32 $0x400, s3  }
0x9: {  	s8 =	ssub.s32 $0xC8, s5;
	s7 =	sshrl.u32 s6, $0xA;
	s6 =	sand.u32 $0x380, s6  }
0xa: {  	s9 =	sshrl.u32 s8, $0x1;
	p0 =	sne.s32 s6, $0x0;
	s6 =	simm.s32 $0x1  }
.Ltmp0:
0xb: {  	s8 =	sand.u32 $0x1, s8;
	s6 =	simm.s32 @!p0 $0x0;
	(pc) =	sbr.rel .LBB1_1-.Ltmp0, $4  }
0xc: {  	s15 =	smov.u32 s5;
	s8 =	sadd.s32 s8, s9;
	s7 =	sadd.s32 s6, s7  }
0xd: {  	s16 =	smov.u32 s3;
	s6 =	simm.s32 $0x1;
	s7 =	smul.u32 s8, s7  }
0xe: {  	p0 =	por $0x0, $0x0;
	s8 =	sand.u32 $0x80, s30;
	[sflag:s6] =	ssyncpa.u1 $0x0  }
0xf: {  	[sflag:s31] =	ssyncpa.u1 $0x0;
	s9 =	sshll.u32 s8, $0x3;
	s10 =	sadd.s32 $0x1, s7  }
.LBB1_4:
0x10: {  	s25 =	sshra.s32 s25, $0x2;
	s26 =	sshrl.u32 s14, $0x7;
	p1 =	sgt.s32 s14, $0x380  }
0x11: {  	s27 =	sshra.s32 s14, $0x1F;
	s29 =	smov.u32 s13;
	s31 =	sshra.s32 s13, $0x1F  }
0x12: {  	s24 =	sadd.s32 s25, s24;
	s30 =	sadd.s32 s26, s12;
	s26 =	smov.u32 s14  }
0x13: {  	v5 =	vld [tilespmem:s22+$0xFFFFFFD0];
	[tilespmem:s23+$0x2040 ss:$0x81] =	vst.msk $0xffff, v4;
	s27 =	sand.u32 s27, s14;
	s25 =	sand.u32 $0x3FFFFF, s30;
	s26 =	simm.s32 @!p1 $0x380  }
0x14: {  	v58 =	vld [tilespmem:s22+$0xFFFFFFE0];
	[tilespmem:s23+$0x2850 ss:$0x81] =	vst.msk $0xffff, v3;
	p1 =	sgt.s32 s13, $0xC7;
	s28 =	smulhi.u32 $0x1555556, s25;
	s26 =	ssub.s32 s26, s27  }
0x15: {  	v59 =	vld [tilespmem:s22+$0xFFFFFFF0];
	[tilespmem:s23+$0x3060 ss:$0x81] =	vst.msk $0xffff, v2;
	s29 =	simm.s32 @!p1 $0xC7;
	s27 =	sand.u32 s31, s13;
	p1 =	sgt.s32 s12, $0x40  }
0x16: {  	v60 =	vld [tilespmem:s22+$0x0];
	[tilespmem:s23+$0x0 ss:$0x81] =	vst.msk $0xffff, v1;
	s23 =	ssub.s32 s29, s27;
	s27 =	smov.u32 s12;
	s30 =	sadd.s32 $0xFFFFFC80, s26  }
0x17: {  	v61 =	vld [tilespmem:s22+$0x10];
	[tilespmem:s24+$0x3870 ss:$0x81] =	vst.msk $0xffff, v0;
	s26 =	ssub.s32 $0x400, s26;
	s27 =	simm.s32 @!p1 $0x40;
	p1 =	sgt.s32 s30, $0x7F  }
0x18: {  	v62 =	vld [tilespmem:s22+$0x20];
	s28 =	smul.u32 $0xC0, s28;
	[tilespmem:s24+$0x810 ss:$0x81] =	vst.msk $0xffff, v5;
	s27 =	ssub.s32 $0xC0, s27;
	s26 =	simm.s32 @p1 $0x0  }
0x19: {  	v63 =	vld [tilespmem:s22+$0xFFFFFFC0];
	s29 =	sand.u32 $0x7, s14;
	s31 =	sadd.s32 $0xFFFFFF39, s23;
	[tilespmem:s24+$0x1020 ss:$0x81] =	vst.msk $0xffff, v58;
	s26 =	smul.u32 s27, s26  }
0x1a: {  	s22 =	ssub.s32 $0xC8, s23;
	[tilespmem:s24+$0x1830 ss:$0x81] =	vst.msk $0xffff, v59;
	p1 =	sgt.s32 s31, $0x0;
	s27 =	smul.u32 $0x6000, s13  }
0x1b: {  	[tilespmem:s24+$0x2040 ss:$0x81] =	vst.msk $0xffff, v60;
	s22 =	simm.s32 @p1 $0x0;
	s25 =	ssub.s32 s25, s28;
	s28 =	sshrl.u32 s14, $0x3  }
0x1c: {  	[tilespmem:s24+$0x2850 ss:$0x81] =	vst.msk $0xffff, v61;
	s23 =	sand.u32 $0xF, s28;
	s22 =	smul.u32 s22, s26;
	s26 =	sadd.s32 s2, s27  }
0x1d: {  	[tilespmem:s24+$0x3060 ss:$0x81] =	vst.msk $0xffff, v62;
	s30 =	sshll.u32 s29, $0x12;
	s25 =	sshll.u32 s25, $0x7;
	s23 =	sadd.s32 s23, s26  }
0x1e: {  	[tilespmem:s24+$0x0 ss:$0x81] =	vst.msk $0xffff, v63;
	s31 =	sor.u32 $0x400, s30;
	s22 =	sand.u32 $0x3FFFFFFF, s22;
	s23 =	sadd.s32 s25, s23  }
0x1f: {  	[hbm4b:s23+s31] =	stream.strided.scatter [tilespmem:s21], [sflag:$0x2], s22, s11, s31, $0x20;
	[tilespmem:$0x10100] =	vst v63  }
.LBB1_5:
0x20: {  	p1 =	slt.u32 s17, $0x2;
	s21 =	smov.u32 s19  }
0x21: {  	s22 =	smov.u32 s20;
	p2 =	sgt.s32 @!p1 s19, $0xC7;
	p3 =	sgt.s32 @!p1 s20, $0x380  }
0x22: {  	s23 =	sshra.s32 @!p1 s20, $0x1F;
	p2 =	por !p2, p1;
	p3 =	por !p3, p1  }
0x23: {  	s20 =	sand.u32 @!p1 s23, s20;
	s21 =	simm.s32 @p2 $0xC7;
	s22 =	simm.s32 @p3 $0x380  }
0x24: {  	p2 =	sgt.s32 @!p1 s18, $0x40;
	s20 =	ssub.s32 @!p1 s22, s20;
	s22 =	sshra.s32 @!p1 s19, $0x1F  }
0x25: {  	p2 =	por !p2, p1;
	s19 =	sand.u32 @!p1 s22, s19;
	s22 =	sadd.s32 @!p1 $0xFFFFFC80, s20  }
0x26: {  	s18 =	simm.s32 @p2 $0x40;
	s19 =	ssub.s32 @!p1 s21, s19;
	p2 =	sgt.s32 @!p1 s22, $0x7F  }
0x27: {  	s20 =	ssub.s32 @!p1 $0x400, s20;
	s21 =	sadd.s32 @!p1 $0xFFFFFF39, s19;
	p2 =	por !p2, p1  }
0x28: {  	s18 =	ssub.s32 @!p1 $0xC0, s18;
	s20 =	simm.s32 @!p2 $0x0;
	p2 =	sgt.s32 @!p1 s21, $0x0  }
0x29: {  	s19 =	ssub.s32 @!p1 $0xC8, s19;
	p2 =	por !p2, p1;
	s18 =	smul.u32 @!p1 s18, s20  }
0x2a: {  	s23 =	smov.u32 s16;
	s21 =	sadd.s32 $0x2, s15;
	s19 =	simm.s32 @!p2 $0x0  }
0x2b: {  	p2 =	sgt.s32 s21, $0xC7;
	s18 =	smul.u32 @!p1 s19, s18;
	s19 =	sadd.s32 $0x400, s16  }
0x2c: {  	s25 =	sadd.s32 $0x1, s17;
	s23 =	smov.u32 @p2 s19  }
0x2d: {  	p0 =	por !p0, !p0;
	s21 =	smov.u32 @p2 s5;
	p2 =	sgt.s32 s23, $0x3FF  }
0x2e: {  	s22 =	simm.s32 @!p1 $0x2;
	s23 =	smov.u32 @p2 s3;
	p2 =	sne.s32 s17, s10  }
.Ltmp1:
0x2f: {  	s20 =	smov.u32 s14;
	s14 =	smov.u32 s16;
	(pc) =	sbr.rel @!p2 .LBB1_6-.Ltmp1, $4  }
0x30: {  	s19 =	smov.u32 s13;
	s13 =	smov.u32 s15;
	s18 =	sand.u32 @!p1 $0x3FFFFFFF, s18  }
0x31: {  	s15 =	smov.u32 s21;
	_ =	swait.ge @!p1 [sflag:s22], s18;
	s24 =	ssub.s32 @!p1 $0x0, s18  }
0x32: {  	s18 =	smov.u32 s12;
	s12 =	smov.u32 s8;
	[sflag:s22] =	ssyncset.done @!p1 $0x0  }
0x33: {  	s17 =	smov.u32 s25;
	s16 =	smov.u32 s23;
	[sflag:s22] =	ssyncadd.s32 @!p1 s24  }
.LBB1_1:
0x34: {  	p1 =	sge.u32 s17, s7  }
0x35: {  	s21 =	sshll.u32 @!p1 s15, $0x8  }
0x36: {  	s22 =	sshll.u32 @!p1 s15, $0x7;
	s21 =	sand.u32 @!p1 $0xFFFFF800, s21  }
0x37: {  	s22 =	sand.u32 @!p1 $0x300, s22;
	s21 =	sor.u32 @!p1 s9, s21  }
0x38: {  	s21 =	sor.u32 @!p1 s22, s21  }
0x39: {  	s21 =	sshrl.u32 @!p1 s21, $0x8  }
0x3a: {  	s22 =	smulhi.u32 @!p1 $0x147AE15, s21;
	_ =	sdelay $0x1  }
0x3b: {  	s22 =	smul.u32 @!p1 $0xC8, s22  }
0x3c: {  	s31 =	sadd.s32 $0xFFFFFFFF, s17;
	s23 =	smul.u32 @!p1 $0x1900, s16  }
0x3d: {  	s24 =	sxor.u32 @!p1 $0xFFFFFFFF, s17;
	s21 =	ssub.s32 @!p1 s21, s22;
	s22 =	sshll.u32 @!p1 s15, $0x4  }
0x3e: {  	s24 =	sshll.u32 @!p1 s24, $0xE;
	s23 =	sadd.s32 @!p1 s4, s23;
	s22 =	sand.u32 @!p1 $0x10, s22  }
0x3f: {  	s24 =	sand.u32 @!p1 $0x4000, s24;
	s21 =	sshll.u32 @!p1 s21, $0x5;
	s22 =	sadd.s32 @!p1 s22, s23  }
0x40: {  	s23 =	simm.s32 @!p1 $0xC800;
	s21 =	sadd.s32 @!p1 s21, s22;
	s22 =	simm.s32 @!p1 $0x80  }
0x41: {  	[tilespmem:s24], [sflag:$0x1] =	stream.strided.gather @!p1 [hbm4b:s21+s22], $0x4000, s23, s22, $0x38;
	[tilespmem:$0x10100] =	vst v63  }
0x42: {  	p1 =	sge.u32 s31, s7  }
.Ltmp2:
0x43: {  	_ = 	snop;
	(pc) =	sbr.rel @p1 .LBB1_5-.Ltmp2, $1  }
0x44: {  	_ =	sdelay $0x3  }
0x45: {  	s21 =	simm.s32 $0x1  }
0x46: {  	_ =	swait.ge [sflag:s6], $0x4000;
	s21 =	simm.s32 @!p0 $0x0  }
0x47: {  	[sflag:s6] =	ssyncset.done $0x0;
	s22 =	sshll.u32 s21, $0xE  }
0x48: {  	[sflag:s6] =	ssyncadd.s32 $0xFFFFC000;
	s22 =	sor.u32 $0x40, s22  }
0x49: {  	s21 =	smul.u32 $0x10200, s21;
	v0 =	vld [tilespmem:s22+$0x30]  }
0x4a: {  	v1 =	vld [tilespmem:s22+$0xFFFFFFD0]  }
0x4b: {  	s21 =	sshrl.u32 s21, $0x2;
	v5 =	vld [tilespmem:s22+$0xFFFFFFE0]  }
0x4c: {  	v6 =	vld [tilespmem:s22+$0xFFFFFFF0];
	s24 =	sor.u32 $0x8000, s21  }
0x4d: {  	s31 =	sand.u32 $0x1, s17;
	v4 =	vld [tilespmem:s22+$0x0];
	s23 =	sadd.s32 $0x0, s24  }
0x4e: {  	v3 =	vld [tilespmem:s22+$0x10];
	s21 =	smul.u32 $0x10200, s31;
	[tilespmem:s23+$0x3870 ss:$0x81] =	vst.msk $0xffff, v0  }
0x4f: {  	v2 =	vld [tilespmem:s22+$0x20];
	[tilespmem:s23+$0x810 ss:$0x81] =	vst.msk $0xffff, v1  }
0x50: {  	s21 =	sshrl.u32 s21, $0x2;
	v1 =	vld [tilespmem:s22+$0xFFFFFFC0];
	[tilespmem:s23+$0x1020 ss:$0x81] =	vst.msk $0xffff, v5;
	s22 =	sadd.s32 $0x80, s22  }
0x51: {  	s25 =	simm.s32 $0x4;
	s26 =	simm.s32 $0x8;
	s21 =	sor.u32 $0x8000, s21;
	[tilespmem:s23+$0x1830 ss:$0x81] =	vst.msk $0xffff, v6;
	v0 =	vld [tilespmem:s22+$0x30]  }
.LBB1_3:
0x52: {  	p1 =	sne.s32 s26, $0x1FC;
	v5 =	vld [tilespmem:s22+$0xFFFFFFD0];
	[tilespmem:s23+$0x2040 ss:$0x81] =	vst.msk $0xffff, v4  }
0x53: {  	v6 =	vld [tilespmem:s22+$0xFFFFFFE0];
	[tilespmem:s23+$0x2850 ss:$0x81] =	vst.msk $0xffff, v3  }
0x54: {  	s27 =	sshra.s32 s25, $0x2;
	s25 =	smov.u32 s26;
	v7 =	vld [tilespmem:s22+$0xFFFFFFF0];
	[tilespmem:s23+$0x3060 ss:$0x81] =	vst.msk $0xffff, v2  }
.Ltmp3:
0x55: {  	v4 =	vld [tilespmem:s22+$0x0];
	[tilespmem:s23+$0x0 ss:$0x81] =	vst.msk $0xffff, v1;
	s23 =	sadd.s32 s27, s24;
	(pc) =	sbr.rel @p1 .LBB1_3-.Ltmp3, $4  }
0x56: {  	v3 =	vld [tilespmem:s22+$0x10];
	[tilespmem:s23+$0x3870 ss:$0x81] =	vst.msk $0xffff, v0  }
0x57: {  	[tilespmem:s23+$0x810 ss:$0x81] =	vst.msk $0xffff, v5;
	v2 =	vld [tilespmem:s22+$0x20]  }
0x58: {  	v1 =	vld [tilespmem:s22+$0xFFFFFFC0];
	[tilespmem:s23+$0x1020 ss:$0x81] =	vst.msk $0xffff, v6;
	s22 =	sadd.s32 $0x80, s22  }
0x59: {  	s26 =	sadd.s32 $0x4, s26;
	v0 =	vld [tilespmem:s22+$0x30];
	[tilespmem:s23+$0x1830 ss:$0x81] =	vst.msk $0xffff, v7  }
.Ltmp4:
0x5a: {  	_ = 	snop;
	(pc) =	sbr.rel .LBB1_4-.Ltmp4, $1  }
0x5b: {  	_ =	sdelay $0x3  }
.LBB1_6:
0x5c: {  	_ =	sfence.sel $0x180000  }
0x5d: {  	s2 =	simm.s32 $0x1;
	[bflag:$0x0] =	sbarrier.arrive $0xFFFF  }
0x5e: {  	s31 =	simm.s32 $0x2;
	[sflag:s2] =	ssyncpa.u1 $0x1  }
0x5f: {  	[sflag:s31] =	ssyncpa.u1 $0x1  }
0x60: {  	p0 =	sne.s32 s1, $0x0;
	_ =	strace $0x9000004A  }
0x61: {  	s0 =	sadd.s32 @!p0 $0x100000, s0;
	[bflag:$0x2] =	sbarrier.arrive $0xFFFF  }
0x62: {  	[sflag:s0] =	ssyncadd.tile.s32 @!p0 $0x1;
	_ =	shalt  }
.Lfunc_end1:
_tile_overlayer_lowered:
.L_overlay_start_2:
0x63: {  	(tag) =	ssettag $0x2  }
0x64: {  	s0 =	rddreg [dreg:$0x0];
	s2 =	stileid.u32  }
0x65: {  	s1 =	rddreg [dreg:$0x1];
	p0 =	sne.s32 s2, $0x0  }
0x66: {  	s3 =	rddreg [dreg:$0x2];
	[bflag:$0x3] =	sbarrier.arrive $0xFFFF;
	s2 =	simm.s32 @!p0 $0x1C01  }
0x67: {  	[timem:s3], [sflag:s2] =	dma.local @!p0 [hbm:s0], s1  }
0x68: {  	s0 =	simm.s32 @!p0 $0x1  }
0x69: {  	_ =	swait.ge @!p0 [sflag:s0], s1  }
0x6a: {  	s1 =	ssub.s32 @!p0 $0x0, s1;
	[sflag:s0] =	ssyncset.done @!p0 $0x0  }
0x6b: {  	[sflag:s0] =	ssyncadd.s32 @!p0 s1  }
0x6c: {  	[bflag:$0x3] =	sbarrier.arrive $0xFFFF  }
0x6d: {  	_ =	shalt  }

</sc_bundles>
